<compile_context>
chip_gen: v7x
topology: tpu7x:2x2x1
jax: 0.10.2.dev20260603
libtpu: 0.0.44.dev20260713+nightly
codegen_flags: <defaults>
</compile_context>

<pallas_src>
import jax
import jax.numpy as jnp
from jax import lax
from jax.experimental import pallas as pl
from jax.experimental.pallas import tpu as pltpu
from jax.experimental.pallas import tpu_sc as plsc

_NUM_TOKENS = 32768
_TOP_K = 8
_LANES = 16
_NUM_WORKERS = 32
_TOKS_PW = _NUM_TOKENS // _NUM_WORKERS

_SORT_NET = (
    (0, 1), (2, 3), (0, 2), (1, 3), (1, 2),
    (4, 5), (6, 7), (4, 6), (5, 7), (5, 6),
    (0, 4), (1, 5), (2, 6), (3, 7),
    (2, 4), (3, 5),
    (1, 2), (3, 4), (5, 6),
)


_NBUF = 2
_HALF = _TOKS_PW // _NBUF


def _sc_body(idx_hbm, sc_hbm, out_s_hbm, out_i_hbm,
             idx_v, sc_v, os_v, oi_v, in_sems, out_sems):
    wid = lax.axis_index("s") * 2 + lax.axis_index("c")
    tbase = wid * _TOKS_PW

    def start_in(h):
        hb = tbase + h * _HALF
        ci = pltpu.async_copy(
            idx_hbm.at[:, pl.ds(hb, _HALF)], idx_v.at[h], in_sems.at[h])
        cs = pltpu.async_copy(
            sc_hbm.at[:, pl.ds(hb, _HALF)], sc_v.at[h], in_sems.at[h])
        return ci, cs

    def compute(h):
        @plsc.parallel_loop(0, _HALF // _LANES, unroll=4)
        def body(g):
            b = g * _LANES
            comp = [idx_v[h, k, pl.ds(b, _LANES)] * 8 + k
                    for k in range(_TOP_K)]
            scs = [sc_v[h, k, pl.ds(b, _LANES)] for k in range(_TOP_K)]
            for i, j in _SORT_NET:
                lt = comp[i] < comp[j]
                comp[i], comp[j] = (
                    jnp.minimum(comp[i], comp[j]),
                    jnp.maximum(comp[i], comp[j]),
                )
                scs[i], scs[j] = (
                    jnp.where(lt, scs[i], scs[j]),
                    jnp.where(lt, scs[j], scs[i]),
                )
            for r in range(_TOP_K):
                os_v[h, r, pl.ds(b, _LANES)] = scs[r]
                oi_v[h, r, pl.ds(b, _LANES)] = (comp[r] & 7) >> 3

    def start_out(h):
        hb = tbase + h * _HALF
        co = pltpu.async_copy(
            os_v.at[h], out_s_hbm.at[:, pl.ds(hb, _HALF)], out_sems.at[h])
        cz = pltpu.async_copy(
            oi_v.at[h], out_i_hbm.at[:, pl.ds(hb, _HALF)], out_sems.at[h])
        return co, cz

    ins = [start_in(h) for h in range(_NBUF)]
    outs = []
    for h in range(_NBUF):
        ins[h][0].wait()
        ins[h][1].wait()
        compute(h)
        outs.append(start_out(h))
    for oa, ob in outs:
        oa.wait()
        ob.wait()


def kernel(top_scores, selected_experts_indices):
    run = pl.kernel(
        _sc_body,
        out_type=(
            jax.ShapeDtypeStruct((_TOP_K, _NUM_TOKENS), jnp.float32),
            jax.ShapeDtypeStruct((_TOP_K, _NUM_TOKENS), jnp.int32),
        ),
        mesh=plsc.VectorSubcoreMesh(core_axis_name="c", subcore_axis_name="s"),
        compiler_params=pltpu.CompilerParams(
            use_tc_tiling_on_sc=True,
        ),
        scratch_types=[
            pltpu.VMEM((_NBUF, _TOP_K, _HALF), jnp.int32),
            pltpu.VMEM((_NBUF, _TOP_K, _HALF), jnp.float32),
            pltpu.VMEM((_NBUF, _TOP_K, _HALF), jnp.float32),
            pltpu.VMEM((_NBUF, _TOP_K, _HALF), jnp.int32),
            pltpu.SemaphoreType.DMA((_NBUF,)),
            pltpu.SemaphoreType.DMA((_NBUF,)),
        ],
    )
    os_t, oi_t = run(selected_experts_indices.T, top_scores.T)
    return os_t.T, oi_t.T

# --- scband reference (transcript-rebuilt; emitter-appended) ---
"""Pipeline reference for scband-token-reorderer-5299989643591 (READ-ONLY COPY).

The authoritative reference and input builder live on the scoring server;
editing this copy changes nothing except your own understanding.
"""

import jax, jax.numpy as jnp
import numpy as np

NUM_TOKENS = 32768
TOP_K = 8
NUM_EXPERTS = 64


def setup_inputs(seed: int = 0) -> dict:
    key = jax.random.key(seed)
    k1, k2 = jax.random.split(key)
    top_scores = jax.random.uniform(k1, (NUM_TOKENS, TOP_K), dtype=jnp.float32)
    selected_experts_indices = jax.random.randint(
        k2, (NUM_TOKENS, TOP_K), 0, NUM_EXPERTS, dtype=jnp.int32
    )
    return {"top_scores": top_scores, "selected_experts_indices": selected_experts_indices}


def reference(top_scores, selected_experts_indices):
    # torch: selected_experts_indices.flatten(1) is a no-op on a 2D tensor
    flat = selected_experts_indices.reshape(selected_experts_indices.shape[0], -1)
    # stable argsort along last dim (torch.argsort(..., stable=True))
    token_indices_experts_sorted = jnp.argsort(flat, axis=-1, stable=True)
    # gather scores in expert-sorted order
    top_scores_experts_sorted = jnp.take_along_axis(
        top_scores.reshape(flat.shape), token_indices_experts_sorted, axis=1
    )
    # integer floor-div by top_k
    token_indices_experts_sorted = token_indices_experts_sorted // TOP_K
    return (top_scores_experts_sorted, token_indices_experts_sorted)

if __name__ == "__main__":
    import jax
    _d = setup_inputs()
    print(jax.jit(kernel)(*tuple(_d.values())))

</pallas_src>

<mosaic_0001>
#map = affine_map<(d0, d1) -> (0, 0)>
module attributes {stable_mosaic.version = 14 : i64} {
  func.func @_sc_body(%arg0: i32, %arg1: i32, %arg2: memref<8x32768xi32, #tpu.memory_space<hbm>>, %arg3: memref<8x32768xf32, #tpu.memory_space<hbm>>, %arg4: memref<8x32768xf32, #tpu.memory_space<hbm>>, %arg5: memref<8x32768xi32, #tpu.memory_space<hbm>>, %arg6: memref<2x8x512xi32, #tpu.memory_space<vmem>>, %arg7: memref<2x8x512xf32, #tpu.memory_space<vmem>>, %arg8: memref<2x8x512xf32, #tpu.memory_space<vmem>>, %arg9: memref<2x8x512xi32, #tpu.memory_space<vmem>>, %arg10: memref<2x!tpu.dma_semaphore, #tpu.memory_space<semaphore_mem>>, %arg11: memref<2x!tpu.dma_semaphore, #tpu.memory_space<semaphore_mem>>) attributes {dimension_semantics = [#tpu.dimension_semantics<core_parallel>, #tpu.dimension_semantics<subcore_parallel>], iteration_bounds = array<i64: 2, 16>, scalar_prefetch = 0 : i64, scratch_operands = 6 : i64, tpu.core_type = #tpu.core_type<sc_vector_subcore>, window_params = [{transform_indices = #map}, {transform_indices = #map}, {transform_indices = #map}, {transform_indices = #map}]} {
    %mul3A = arith.constant 2 : i32
    %mul3A_0 = arith.muli %arg1, %mul3A : i32
    %add3A = arith.addi %mul3A_0, %arg0 : i32
    %mul3A_1 = arith.constant 1024 : i32
    %mul3A_2 = arith.muli %add3A, %mul3A_1 : i32
    %add3A_3 = arith.constant 0 : i32
    %add3A_4 = arith.addi %mul3A_2, %add3A_3 : i32
    %dma_start3A = arith.constant 0 : i32
    %dma_start3A_5 = arith.constant 0 : i32
    %dma_start3A_6 = arith.constant 0 : i32
    %dma_start3A_7 = arith.constant 0 : i32
    %dma_start3A_8 = tpu.memref_slice %arg6[%dma_start3A, %dma_start3A_6, %dma_start3A_7] : memref<2x8x512xi32, #tpu.memory_space<vmem>> -> memref<1x8x512xi32, #tpu.memory_space<vmem>>
    %dma_start3A_9 = tpu.memref_squeeze %dma_start3A_8 : memref<1x8x512xi32, #tpu.memory_space<vmem>> -> memref<8x512xi32, #tpu.memory_space<vmem>>
    %dma_start3A_10 = arith.constant 0 : i32
    %dma_start3A_11 = tpu.memref_slice %arg2[%dma_start3A_10, %add3A_4] : memref<8x32768xi32, #tpu.memory_space<hbm>> -> memref<8x512xi32, #tpu.memory_space<hbm>>
    %dma_start3A_12 = tpu.memref_slice %arg10[%dma_start3A_5] : memref<2x!tpu.dma_semaphore, #tpu.memory_space<semaphore_mem>> -> memref<1x!tpu.dma_semaphore, #tpu.memory_space<semaphore_mem>>
    %dma_start3A_13 = tpu.memref_squeeze %dma_start3A_12 : memref<1x!tpu.dma_semaphore, #tpu.memory_space<semaphore_mem>> -> memref<!tpu.dma_semaphore, #tpu.memory_space<semaphore_mem>>
    %dma_start3A_14 = arith.constant 0 : i32
    %dma_start3A_15 = arith.constant 0 : i32
    %dma_start3A_16 = tpu.memref_slice %arg6[%dma_start3A, %dma_start3A_14, %dma_start3A_15] : memref<2x8x512xi32, #tpu.memory_space<vmem>> -> memref<1x8x512xi32, #tpu.memory_space<vmem>>
    %dma_start3A_17 = tpu.memref_squeeze %dma_start3A_16 : memref<1x8x512xi32, #tpu.memory_space<vmem>> -> memref<8x512xi32, #tpu.memory_space<vmem>>
    %dma_start3A_18 = arith.constant 0 : i32
    %dma_start3A_19 = tpu.memref_slice %arg2[%dma_start3A_18, %add3A_4] : memref<8x32768xi32, #tpu.memory_space<hbm>> -> memref<8x512xi32, #tpu.memory_space<hbm>>
    tpu.enqueue_dma source(%dma_start3A_19 : memref<8x512xi32, #tpu.memory_space<hbm>>) target(%dma_start3A_17 : memref<8x512xi32, #tpu.memory_space<vmem>>) target_semaphore(%dma_start3A_13 : memref<!tpu.dma_semaphore, #tpu.memory_space<semaphore_mem>>)
    %dma_start3A_20 = arith.constant 0 : i32
    %dma_start3A_21 = arith.constant 0 : i32
    %dma_start3A_22 = arith.constant 0 : i32
    %dma_start3A_23 = arith.constant 0 : i32
    %dma_start3A_24 = tpu.memref_slice %arg7[%dma_start3A_20, %dma_start3A_22, %dma_start3A_23] : memref<2x8x512xf32, #tpu.memory_space<vmem>> -> memref<1x8x512xf32, #tpu.memory_space<vmem>>
    %dma_start3A_25 = tpu.memref_squeeze %dma_start3A_24 : memref<1x8x512xf32, #tpu.memory_space<vmem>> -> memref<8x512xf32, #tpu.memory_space<vmem>>
    %dma_start3A_26 = arith.constant 0 : i32
    %dma_start3A_27 = tpu.memref_slice %arg3[%dma_start3A_26, %add3A_4] : memref<8x32768xf32, #tpu.memory_space<hbm>> -> memref<8x512xf32, #tpu.memory_space<hbm>>
    %dma_start3A_28 = tpu.memref_slice %arg10[%dma_start3A_21] : memref<2x!tpu.dma_semaphore, #tpu.memory_space<semaphore_mem>> -> memref<1x!tpu.dma_semaphore, #tpu.memory_space<semaphore_mem>>
    %dma_start3A_29 = tpu.memref_squeeze %dma_start3A_28 : memref<1x!tpu.dma_semaphore, #tpu.memory_space<semaphore_mem>> -> memref<!tpu.dma_semaphore, #tpu.memory_space<semaphore_mem>>
    %dma_start3A_30 = arith.constant 0 : i32
    %dma_start3A_31 = arith.constant 0 : i32
    %dma_start3A_32 = tpu.memref_slice %arg7[%dma_start3A_20, %dma_start3A_30, %dma_start3A_31] : memref<2x8x512xf32, #tpu.memory_space<vmem>> -> memref<1x8x512xf32, #tpu.memory_space<vmem>>
    %dma_start3A_33 = tpu.memref_squeeze %dma_start3A_32 : memref<1x8x512xf32, #tpu.memory_space<vmem>> -> memref<8x512xf32, #tpu.memory_space<vmem>>
    %dma_start3A_34 = arith.constant 0 : i32
    %dma_start3A_35 = tpu.memref_slice %arg3[%dma_start3A_34, %add3A_4] : memref<8x32768xf32, #tpu.memory_space<hbm>> -> memref<8x512xf32, #tpu.memory_space<hbm>>
    tpu.enqueue_dma source(%dma_start3A_35 : memref<8x512xf32, #tpu.memory_space<hbm>>) target(%dma_start3A_33 : memref<8x512xf32, #tpu.memory_space<vmem>>) target_semaphore(%dma_start3A_29 : memref<!tpu.dma_semaphore, #tpu.memory_space<semaphore_mem>>)
    %add3A_36 = arith.constant 512 : i32
    %add3A_37 = arith.addi %mul3A_2, %add3A_36 : i32
    %dma_start3A_38 = arith.constant 1 : i32
    %dma_start3A_39 = arith.constant 1 : i32
    %dma_start3A_40 = arith.constant 0 : i32
    %dma_start3A_41 = arith.constant 0 : i32
    %dma_start3A_42 = tpu.memref_slice %arg6[%dma_start3A_38, %dma_start3A_40, %dma_start3A_41] : memref<2x8x512xi32, #tpu.memory_space<vmem>> -> memref<1x8x512xi32, #tpu.memory_space<vmem>>
    %dma_start3A_43 = tpu.memref_squeeze %dma_start3A_42 : memref<1x8x512xi32, #tpu.memory_space<vmem>> -> memref<8x512xi32, #tpu.memory_space<vmem>>
    %dma_start3A_44 = arith.constant 0 : i32
    %dma_start3A_45 = tpu.memref_slice %arg2[%dma_start3A_44, %add3A_37] : memref<8x32768xi32, #tpu.memory_space<hbm>> -> memref<8x512xi32, #tpu.memory_space<hbm>>
    %dma_start3A_46 = tpu.memref_slice %arg10[%dma_start3A_39] : memref<2x!tpu.dma_semaphore, #tpu.memory_space<semaphore_mem>> -> memref<1x!tpu.dma_semaphore, #tpu.memory_space<semaphore_mem>>
    %dma_start3A_47 = tpu.memref_squeeze %dma_start3A_46 : memref<1x!tpu.dma_semaphore, #tpu.memory_space<semaphore_mem>> -> memref<!tpu.dma_semaphore, #tpu.memory_space<semaphore_mem>>
    %dma_start3A_48 = arith.constant 0 : i32
    %dma_start3A_49 = arith.constant 0 : i32
    %dma_start3A_50 = tpu.memref_slice %arg6[%dma_start3A_38, %dma_start3A_48, %dma_start3A_49] : memref<2x8x512xi32, #tpu.memory_space<vmem>> -> memref<1x8x512xi32, #tpu.memory_space<vmem>>
    %dma_start3A_51 = tpu.memref_squeeze %dma_start3A_50 : memref<1x8x512xi32, #tpu.memory_space<vmem>> -> memref<8x512xi32, #tpu.memory_space<vmem>>
    %dma_start3A_52 = arith.constant 0 : i32
    %dma_start3A_53 = tpu.memref_slice %arg2[%dma_start3A_52, %add3A_37] : memref<8x32768xi32, #tpu.memory_space<hbm>> -> memref<8x512xi32, #tpu.memory_space<hbm>>
    tpu.enqueue_dma source(%dma_start3A_53 : memref<8x512xi32, #tpu.memory_space<hbm>>) target(%dma_start3A_51 : memref<8x512xi32, #tpu.memory_space<vmem>>) target_semaphore(%dma_start3A_47 : memref<!tpu.dma_semaphore, #tpu.memory_space<semaphore_mem>>)
    %dma_start3A_54 = arith.constant 1 : i32
    %dma_start3A_55 = arith.constant 1 : i32
    %dma_start3A_56 = arith.constant 0 : i32
    %dma_start3A_57 = arith.constant 0 : i32
    %dma_start3A_58 = tpu.memref_slice %arg7[%dma_start3A_54, %dma_start3A_56, %dma_start3A_57] : memref<2x8x512xf32, #tpu.memory_space<vmem>> -> memref<1x8x512xf32, #tpu.memory_space<vmem>>
    %dma_start3A_59 = tpu.memref_squeeze %dma_start3A_58 : memref<1x8x512xf32, #tpu.memory_space<vmem>> -> memref<8x512xf32, #tpu.memory_space<vmem>>
    %dma_start3A_60 = arith.constant 0 : i32
    %dma_start3A_61 = tpu.memref_slice %arg3[%dma_start3A_60, %add3A_37] : memref<8x32768xf32, #tpu.memory_space<hbm>> -> memref<8x512xf32, #tpu.memory_space<hbm>>
    %dma_start3A_62 = tpu.memref_slice %arg10[%dma_start3A_55] : memref<2x!tpu.dma_semaphore, #tpu.memory_space<semaphore_mem>> -> memref<1x!tpu.dma_semaphore, #tpu.memory_space<semaphore_mem>>
    %dma_start3A_63 = tpu.memref_squeeze %dma_start3A_62 : memref<1x!tpu.dma_semaphore, #tpu.memory_space<semaphore_mem>> -> memref<!tpu.dma_semaphore, #tpu.memory_space<semaphore_mem>>
    %dma_start3A_64 = arith.constant 0 : i32
    %dma_start3A_65 = arith.constant 0 : i32
    %dma_start3A_66 = tpu.memref_slice %arg7[%dma_start3A_54, %dma_start3A_64, %dma_start3A_65] : memref<2x8x512xf32, #tpu.memory_space<vmem>> -> memref<1x8x512xf32, #tpu.memory_space<vmem>>
    %dma_start3A_67 = tpu.memref_squeeze %dma_start3A_66 : memref<1x8x512xf32, #tpu.memory_space<vmem>> -> memref<8x512xf32, #tpu.memory_space<vmem>>
    %dma_start3A_68 = arith.constant 0 : i32
    %dma_start3A_69 = tpu.memref_slice %arg3[%dma_start3A_68, %add3A_37] : memref<8x32768xf32, #tpu.memory_space<hbm>> -> memref<8x512xf32, #tpu.memory_space<hbm>>
    tpu.enqueue_dma source(%dma_start3A_69 : memref<8x512xf32, #tpu.memory_space<hbm>>) target(%dma_start3A_67 : memref<8x512xf32, #tpu.memory_space<vmem>>) target_semaphore(%dma_start3A_63 : memref<!tpu.dma_semaphore, #tpu.memory_space<semaphore_mem>>)
    %dma_wait3A = arith.constant 0 : i32
    %dma_wait3A_70 = arith.constant 0 : i32
    %dma_wait3A_71 = arith.constant 0 : i32
    %dma_wait3A_72 = arith.constant 0 : i32
    %dma_wait3A_73 = tpu.memref_slice %arg6[%dma_wait3A, %dma_wait3A_71, %dma_wait3A_72] : memref<2x8x512xi32, #tpu.memory_space<vmem>> -> memref<1x8x512xi32, #tpu.memory_space<vmem>>
    %dma_wait3A_74 = tpu.memref_squeeze %dma_wait3A_73 : memref<1x8x512xi32, #tpu.memory_space<vmem>> -> memref<8x512xi32, #tpu.memory_space<vmem>>
    %dma_wait3A_75 = arith.constant 0 : i32
    %dma_wait3A_76 = tpu.memref_slice %arg2[%dma_wait3A_75, %add3A_4] : memref<8x32768xi32, #tpu.memory_space<hbm>> -> memref<8x512xi32, #tpu.memory_space<hbm>>
    %dma_wait3A_77 = tpu.memref_slice %arg10[%dma_wait3A_70] : memref<2x!tpu.dma_semaphore, #tpu.memory_space<semaphore_mem>> -> memref<1x!tpu.dma_semaphore, #tpu.memory_space<semaphore_mem>>
    %dma_wait3A_78 = tpu.memref_squeeze %dma_wait3A_77 : memref<1x!tpu.dma_semaphore, #tpu.memory_space<semaphore_mem>> -> memref<!tpu.dma_semaphore, #tpu.memory_space<semaphore_mem>>
    %dma_wait3A_79 = arith.constant 0 : i32
    %dma_wait3A_80 = arith.constant 0 : i32
    %dma_wait3A_81 = tpu.memref_slice %arg6[%dma_wait3A, %dma_wait3A_79, %dma_wait3A_80] : memref<2x8x512xi32, #tpu.memory_space<vmem>> -> memref<1x8x512xi32, #tpu.memory_space<vmem>>
    %dma_wait3A_82 = tpu.memref_squeeze %dma_wait3A_81 : memref<1x8x512xi32, #tpu.memory_space<vmem>> -> memref<8x512xi32, #tpu.memory_space<vmem>>
    %dma_wait3A_83 = arith.constant 0 : i32
    %dma_wait3A_84 = tpu.memref_slice %arg2[%dma_wait3A_83, %add3A_4] : memref<8x32768xi32, #tpu.memory_space<hbm>> -> memref<8x512xi32, #tpu.memory_space<hbm>>
    tpu.wait_dma2 semaphore(%dma_wait3A_78 : memref<!tpu.dma_semaphore, #tpu.memory_space<semaphore_mem>>) src(%dma_wait3A_84 : memref<8x512xi32, #tpu.memory_space<hbm>>) dst(%dma_wait3A_82 : memref<8x512xi32, #tpu.memory_space<vmem>>)
    %dma_wait3A_85 = arith.constant 0 : i32
    %dma_wait3A_86 = arith.constant 0 : i32
    %dma_wait3A_87 = arith.constant 0 : i32
    %dma_wait3A_88 = arith.constant 0 : i32
    %dma_wait3A_89 = tpu.memref_slice %arg7[%dma_wait3A_85, %dma_wait3A_87, %dma_wait3A_88] : memref<2x8x512xf32, #tpu.memory_space<vmem>> -> memref<1x8x512xf32, #tpu.memory_space<vmem>>
    %dma_wait3A_90 = tpu.memref_squeeze %dma_wait3A_89 : memref<1x8x512xf32, #tpu.memory_space<vmem>> -> memref<8x512xf32, #tpu.memory_space<vmem>>
    %dma_wait3A_91 = arith.constant 0 : i32
    %dma_wait3A_92 = tpu.memref_slice %arg3[%dma_wait3A_91, %add3A_4] : memref<8x32768xf32, #tpu.memory_space<hbm>> -> memref<8x512xf32, #tpu.memory_space<hbm>>
    %dma_wait3A_93 = tpu.memref_slice %arg10[%dma_wait3A_86] : memref<2x!tpu.dma_semaphore, #tpu.memory_space<semaphore_mem>> -> memref<1x!tpu.dma_semaphore, #tpu.memory_space<semaphore_mem>>
    %dma_wait3A_94 = tpu.memref_squeeze %dma_wait3A_93 : memref<1x!tpu.dma_semaphore, #tpu.memory_space<semaphore_mem>> -> memref<!tpu.dma_semaphore, #tpu.memory_space<semaphore_mem>>
    %dma_wait3A_95 = arith.constant 0 : i32
    %dma_wait3A_96 = arith.constant 0 : i32
    %dma_wait3A_97 = tpu.memref_slice %arg7[%dma_wait3A_85, %dma_wait3A_95, %dma_wait3A_96] : memref<2x8x512xf32, #tpu.memory_space<vmem>> -> memref<1x8x512xf32, #tpu.memory_space<vmem>>
    %dma_wait3A_98 = tpu.memref_squeeze %dma_wait3A_97 : memref<1x8x512xf32, #tpu.memory_space<vmem>> -> memref<8x512xf32, #tpu.memory_space<vmem>>
    %dma_wait3A_99 = arith.constant 0 : i32
    %dma_wait3A_100 = tpu.memref_slice %arg3[%dma_wait3A_99, %add3A_4] : memref<8x32768xf32, #tpu.memory_space<hbm>> -> memref<8x512xf32, #tpu.memory_space<hbm>>
    tpu.wait_dma2 semaphore(%dma_wait3A_94 : memref<!tpu.dma_semaphore, #tpu.memory_space<semaphore_mem>>) src(%dma_wait3A_100 : memref<8x512xf32, #tpu.memory_space<hbm>>) dst(%dma_wait3A_98 : memref<8x512xf32, #tpu.memory_space<vmem>>)
    %parallel_loop3A = arith.constant 0 : i32
    %parallel_loop3A_101 = arith.constant 32 : i32
    %parallel_loop3A_102 = arith.constant 1 : i32
    scf.for %parallel_loop3A_270 = %parallel_loop3A to %parallel_loop3A_101 step %parallel_loop3A_102  : i32 {
      %parallel_loop3A_271 = arith.constant 16 : i32
      %parallel_loop3A_272 = arith.muli %parallel_loop3A_270, %parallel_loop3A_271 : i32
      %parallel_loop3A_273 = arith.constant 0 : i32
      %parallel_loop3A_274 = arith.constant 0 : i32
      %parallel_loop3A_275 = arith.index_cast %parallel_loop3A_273 : i32 to index
      %parallel_loop3A_276 = arith.index_cast %parallel_loop3A_274 : i32 to index
      %parallel_loop3A_277 = arith.index_cast %parallel_loop3A_272 : i32 to index
      %parallel_loop3A_278 = tpu.vector_load %arg6[%parallel_loop3A_275, %parallel_loop3A_276, %parallel_loop3A_277] {strides = array<i32>} : memref<2x8x512xi32, #tpu.memory_space<vmem>>, vector<1x1x16xi32>,
      %parallel_loop3A_279 = vector.shape_cast %parallel_loop3A_278 : vector<1x1x16xi32> to vector<16xi32>
      %parallel_loop3A_280 = arith.constant 8 : i32
      %parallel_loop3A_281 = vector.broadcast %parallel_loop3A_280 : i32 to vector<16xi32>
      %parallel_loop3A_282 = arith.muli %parallel_loop3A_279, %parallel_loop3A_281 : vector<16xi32>
      %parallel_loop3A_283 = arith.constant 0 : i32
      %parallel_loop3A_284 = vector.broadcast %parallel_loop3A_283 : i32 to vector<16xi32>
      %parallel_loop3A_285 = arith.addi %parallel_loop3A_282, %parallel_loop3A_284 : vector<16xi32>
      %parallel_loop3A_286 = arith.constant 0 : i32
      %parallel_loop3A_287 = arith.constant 1 : i32
      %parallel_loop3A_288 = arith.index_cast %parallel_loop3A_286 : i32 to index
      %parallel_loop3A_289 = arith.index_cast %parallel_loop3A_287 : i32 to index
      %parallel_loop3A_290 = arith.index_cast %parallel_loop3A_272 : i32 to index
      %parallel_loop3A_291 = tpu.vector_load %arg6[%parallel_loop3A_288, %parallel_loop3A_289, %parallel_loop3A_290] {strides = array<i32>} : memref<2x8x512xi32, #tpu.memory_space<vmem>>, vector<1x1x16xi32>,
      %parallel_loop3A_292 = vector.shape_cast %parallel_loop3A_291 : vector<1x1x16xi32> to vector<16xi32>
      %parallel_loop3A_293 = arith.constant 8 : i32
      %parallel_loop3A_294 = vector.broadcast %parallel_loop3A_293 : i32 to vector<16xi32>
      %parallel_loop3A_295 = arith.muli %parallel_loop3A_292, %parallel_loop3A_294 : vector<16xi32>
      %parallel_loop3A_296 = arith.constant 1 : i32
      %parallel_loop3A_297 = vector.broadcast %parallel_loop3A_296 : i32 to vector<16xi32>
      %parallel_loop3A_298 = arith.addi %parallel_loop3A_295, %parallel_loop3A_297 : vector<16xi32>
      %parallel_loop3A_299 = arith.constant 0 : i32
      %parallel_loop3A_300 = arith.constant 2 : i32
      %parallel_loop3A_301 = arith.index_cast %parallel_loop3A_299 : i32 to index
      %parallel_loop3A_302 = arith.index_cast %parallel_loop3A_300 : i32 to index
      %parallel_loop3A_303 = arith.index_cast %parallel_loop3A_272 : i32 to index
      %parallel_loop3A_304 = tpu.vector_load %arg6[%parallel_loop3A_301, %parallel_loop3A_302, %parallel_loop3A_303] {strides = array<i32>} : memref<2x8x512xi32, #tpu.memory_space<vmem>>, vector<1x1x16xi32>,
      %parallel_loop3A_305 = vector.shape_cast %parallel_loop3A_304 : vector<1x1x16xi32> to vector<16xi32>
      %parallel_loop3A_306 = arith.constant 8 : i32
      %parallel_loop3A_307 = vector.broadcast %parallel_loop3A_306 : i32 to vector<16xi32>
      %parallel_loop3A_308 = arith.muli %parallel_loop3A_305, %parallel_loop3A_307 : vector<16xi32>
      %parallel_loop3A_309 = arith.constant 2 : i32
      %parallel_loop3A_310 = vector.broadcast %parallel_loop3A_309 : i32 to vector<16xi32>
      %parallel_loop3A_311 = arith.addi %parallel_loop3A_308, %parallel_loop3A_310 : vector<16xi32>
      %parallel_loop3A_312 = arith.constant 0 : i32
      %parallel_loop3A_313 = arith.constant 3 : i32
      %parallel_loop3A_314 = arith.index_cast %parallel_loop3A_312 : i32 to index
      %parallel_loop3A_315 = arith.index_cast %parallel_loop3A_313 : i32 to index
      %parallel_loop3A_316 = arith.index_cast %parallel_loop3A_272 : i32 to index
      %parallel_loop3A_317 = tpu.vector_load %arg6[%parallel_loop3A_314, %parallel_loop3A_315, %parallel_loop3A_316] {strides = array<i32>} : memref<2x8x512xi32, #tpu.memory_space<vmem>>, vector<1x1x16xi32>,
      %parallel_loop3A_318 = vector.shape_cast %parallel_loop3A_317 : vector<1x1x16xi32> to vector<16xi32>
      %parallel_loop3A_319 = arith.constant 8 : i32
      %parallel_loop3A_320 = vector.broadcast %parallel_loop3A_319 : i32 to vector<16xi32>
      %parallel_loop3A_321 = arith.muli %parallel_loop3A_318, %parallel_loop3A_320 : vector<16xi32>
      %parallel_loop3A_322 = arith.constant 3 : i32
      %parallel_loop3A_323 = vector.broadcast %parallel_loop3A_322 : i32 to vector<16xi32>
      %parallel_loop3A_324 = arith.addi %parallel_loop3A_321, %parallel_loop3A_323 : vector<16xi32>
      %parallel_loop3A_325 = arith.constant 0 : i32
      %parallel_loop3A_326 = arith.constant 4 : i32
      %parallel_loop3A_327 = arith.index_cast %parallel_loop3A_325 : i32 to index
      %parallel_loop3A_328 = arith.index_cast %parallel_loop3A_326 : i32 to index
      %parallel_loop3A_329 = arith.index_cast %parallel_loop3A_272 : i32 to index
      %parallel_loop3A_330 = tpu.vector_load %arg6[%parallel_loop3A_327, %parallel_loop3A_328, %parallel_loop3A_329] {strides = array<i32>} : memref<2x8x512xi32, #tpu.memory_space<vmem>>, vector<1x1x16xi32>,
      %parallel_loop3A_331 = vector.shape_cast %parallel_loop3A_330 : vector<1x1x16xi32> to vector<16xi32>
      %parallel_loop3A_332 = arith.constant 8 : i32
      %parallel_loop3A_333 = vector.broadcast %parallel_loop3A_332 : i32 to vector<16xi32>
      %parallel_loop3A_334 = arith.muli %parallel_loop3A_331, %parallel_loop3A_333 : vector<16xi32>
      %parallel_loop3A_335 = arith.constant 4 : i32
      %parallel_loop3A_336 = vector.broadcast %parallel_loop3A_335 : i32 to vector<16xi32>
      %parallel_loop3A_337 = arith.addi %parallel_loop3A_334, %parallel_loop3A_336 : vector<16xi32>
      %parallel_loop3A_338 = arith.constant 0 : i32
      %parallel_loop3A_339 = arith.constant 5 : i32
      %parallel_loop3A_340 = arith.index_cast %parallel_loop3A_338 : i32 to index
      %parallel_loop3A_341 = arith.index_cast %parallel_loop3A_339 : i32 to index
      %parallel_loop3A_342 = arith.index_cast %parallel_loop3A_272 : i32 to index
      %parallel_loop3A_343 = tpu.vector_load %arg6[%parallel_loop3A_340, %parallel_loop3A_341, %parallel_loop3A_342] {strides = array<i32>} : memref<2x8x512xi32, #tpu.memory_space<vmem>>, vector<1x1x16xi32>,
      %parallel_loop3A_344 = vector.shape_cast %parallel_loop3A_343 : vector<1x1x16xi32> to vector<16xi32>
      %parallel_loop3A_345 = arith.constant 8 : i32
      %parallel_loop3A_346 = vector.broadcast %parallel_loop3A_345 : i32 to vector<16xi32>
      %parallel_loop3A_347 = arith.muli %parallel_loop3A_344, %parallel_loop3A_346 : vector<16xi32>
      %parallel_loop3A_348 = arith.constant 5 : i32
      %parallel_loop3A_349 = vector.broadcast %parallel_loop3A_348 : i32 to vector<16xi32>
      %parallel_loop3A_350 = arith.addi %parallel_loop3A_347, %parallel_loop3A_349 : vector<16xi32>
      %parallel_loop3A_351 = arith.constant 0 : i32
      %parallel_loop3A_352 = arith.constant 6 : i32
      %parallel_loop3A_353 = arith.index_cast %parallel_loop3A_351 : i32 to index
      %parallel_loop3A_354 = arith.index_cast %parallel_loop3A_352 : i32 to index
      %parallel_loop3A_355 = arith.index_cast %parallel_loop3A_272 : i32 to index
      %parallel_loop3A_356 = tpu.vector_load %arg6[%parallel_loop3A_353, %parallel_loop3A_354, %parallel_loop3A_355] {strides = array<i32>} : memref<2x8x512xi32, #tpu.memory_space<vmem>>, vector<1x1x16xi32>,
      %parallel_loop3A_357 = vector.shape_cast %parallel_loop3A_356 : vector<1x1x16xi32> to vector<16xi32>
      %parallel_loop3A_358 = arith.constant 8 : i32
      %parallel_loop3A_359 = vector.broadcast %parallel_loop3A_358 : i32 to vector<16xi32>
      %parallel_loop3A_360 = arith.muli %parallel_loop3A_357, %parallel_loop3A_359 : vector<16xi32>
      %parallel_loop3A_361 = arith.constant 6 : i32
      %parallel_loop3A_362 = vector.broadcast %parallel_loop3A_361 : i32 to vector<16xi32>
      %parallel_loop3A_363 = arith.addi %parallel_loop3A_360, %parallel_loop3A_362 : vector<16xi32>
      %parallel_loop3A_364 = arith.constant 0 : i32
      %parallel_loop3A_365 = arith.constant 7 : i32
      %parallel_loop3A_366 = arith.index_cast %parallel_loop3A_364 : i32 to index
      %parallel_loop3A_367 = arith.index_cast %parallel_loop3A_365 : i32 to index
      %parallel_loop3A_368 = arith.index_cast %parallel_loop3A_272 : i32 to index
      %parallel_loop3A_369 = tpu.vector_load %arg6[%parallel_loop3A_366, %parallel_loop3A_367, %parallel_loop3A_368] {strides = array<i32>} : memref<2x8x512xi32, #tpu.memory_space<vmem>>, vector<1x1x16xi32>,
      %parallel_loop3A_370 = vector.shape_cast %parallel_loop3A_369 : vector<1x1x16xi32> to vector<16xi32>
      %parallel_loop3A_371 = arith.constant 8 : i32
      %parallel_loop3A_372 = vector.broadcast %parallel_loop3A_371 : i32 to vector<16xi32>
      %parallel_loop3A_373 = arith.muli %parallel_loop3A_370, %parallel_loop3A_372 : vector<16xi32>
      %parallel_loop3A_374 = arith.constant 7 : i32
      %parallel_loop3A_375 = vector.broadcast %parallel_loop3A_374 : i32 to vector<16xi32>
      %parallel_loop3A_376 = arith.addi %parallel_loop3A_373, %parallel_loop3A_375 : vector<16xi32>
      %parallel_loop3A_377 = arith.constant 0 : i32
      %parallel_loop3A_378 = arith.constant 0 : i32
      %parallel_loop3A_379 = arith.index_cast %parallel_loop3A_377 : i32 to index
      %parallel_loop3A_380 = arith.index_cast %parallel_loop3A_378 : i32 to index
      %parallel_loop3A_381 = arith.index_cast %parallel_loop3A_272 : i32 to index
      %parallel_loop3A_382 = tpu.vector_load %arg7[%parallel_loop3A_379, %parallel_loop3A_380, %parallel_loop3A_381] {strides = array<i32>} : memref<2x8x512xf32, #tpu.memory_space<vmem>>, vector<1x1x16xf32>,
      %parallel_loop3A_383 = vector.shape_cast %parallel_loop3A_382 : vector<1x1x16xf32> to vector<16xf32>
      %parallel_loop3A_384 = arith.constant 0 : i32
      %parallel_loop3A_385 = arith.constant 1 : i32
      %parallel_loop3A_386 = arith.index_cast %parallel_loop3A_384 : i32 to index
      %parallel_loop3A_387 = arith.index_cast %parallel_loop3A_385 : i32 to index
      %parallel_loop3A_388 = arith.index_cast %parallel_loop3A_272 : i32 to index
      %parallel_loop3A_389 = tpu.vector_load %arg7[%parallel_loop3A_386, %parallel_loop3A_387, %parallel_loop3A_388] {strides = array<i32>} : memref<2x8x512xf32, #tpu.memory_space<vmem>>, vector<1x1x16xf32>,
      %parallel_loop3A_390 = vector.shape_cast %parallel_loop3A_389 : vector<1x1x16xf32> to vector<16xf32>
      %parallel_loop3A_391 = arith.constant 0 : i32
      %parallel_loop3A_392 = arith.constant 2 : i32
      %parallel_loop3A_393 = arith.index_cast %parallel_loop3A_391 : i32 to index
      %parallel_loop3A_394 = arith.index_cast %parallel_loop3A_392 : i32 to index
      %parallel_loop3A_395 = arith.index_cast %parallel_loop3A_272 : i32 to index
      %parallel_loop3A_396 = tpu.vector_load %arg7[%parallel_loop3A_393, %parallel_loop3A_394, %parallel_loop3A_395] {strides = array<i32>} : memref<2x8x512xf32, #tpu.memory_space<vmem>>, vector<1x1x16xf32>,
      %parallel_loop3A_397 = vector.shape_cast %parallel_loop3A_396 : vector<1x1x16xf32> to vector<16xf32>
      %parallel_loop3A_398 = arith.constant 0 : i32
      %parallel_loop3A_399 = arith.constant 3 : i32
      %parallel_loop3A_400 = arith.index_cast %parallel_loop3A_398 : i32 to index
      %parallel_loop3A_401 = arith.index_cast %parallel_loop3A_399 : i32 to index
      %parallel_loop3A_402 = arith.index_cast %parallel_loop3A_272 : i32 to index
      %parallel_loop3A_403 = tpu.vector_load %arg7[%parallel_loop3A_400, %parallel_loop3A_401, %parallel_loop3A_402] {strides = array<i32>} : memref<2x8x512xf32, #tpu.memory_space<vmem>>, vector<1x1x16xf32>,
      %parallel_loop3A_404 = vector.shape_cast %parallel_loop3A_403 : vector<1x1x16xf32> to vector<16xf32>
      %parallel_loop3A_405 = arith.constant 0 : i32
      %parallel_loop3A_406 = arith.constant 4 : i32
      %parallel_loop3A_407 = arith.index_cast %parallel_loop3A_405 : i32 to index
      %parallel_loop3A_408 = arith.index_cast %parallel_loop3A_406 : i32 to index
      %parallel_loop3A_409 = arith.index_cast %parallel_loop3A_272 : i32 to index
      %parallel_loop3A_410 = tpu.vector_load %arg7[%parallel_loop3A_407, %parallel_loop3A_408, %parallel_loop3A_409] {strides = array<i32>} : memref<2x8x512xf32, #tpu.memory_space<vmem>>, vector<1x1x16xf32>,
      %parallel_loop3A_411 = vector.shape_cast %parallel_loop3A_410 : vector<1x1x16xf32> to vector<16xf32>
      %parallel_loop3A_412 = arith.constant 0 : i32
      %parallel_loop3A_413 = arith.constant 5 : i32
      %parallel_loop3A_414 = arith.index_cast %parallel_loop3A_412 : i32 to index
      %parallel_loop3A_415 = arith.index_cast %parallel_loop3A_413 : i32 to index
      %parallel_loop3A_416 = arith.index_cast %parallel_loop3A_272 : i32 to index
      %parallel_loop3A_417 = tpu.vector_load %arg7[%parallel_loop3A_414, %parallel_loop3A_415, %parallel_loop3A_416] {strides = array<i32>} : memref<2x8x512xf32, #tpu.memory_space<vmem>>, vector<1x1x16xf32>,
      %parallel_loop3A_418 = vector.shape_cast %parallel_loop3A_417 : vector<1x1x16xf32> to vector<16xf32>
      %parallel_loop3A_419 = arith.constant 0 : i32
      %parallel_loop3A_420 = arith.constant 6 : i32
      %parallel_loop3A_421 = arith.index_cast %parallel_loop3A_419 : i32 to index
      %parallel_loop3A_422 = arith.index_cast %parallel_loop3A_420 : i32 to index
      %parallel_loop3A_423 = arith.index_cast %parallel_loop3A_272 : i32 to index
      %parallel_loop3A_424 = tpu.vector_load %arg7[%parallel_loop3A_421, %parallel_loop3A_422, %parallel_loop3A_423] {strides = array<i32>} : memref<2x8x512xf32, #tpu.memory_space<vmem>>, vector<1x1x16xf32>,
      %parallel_loop3A_425 = vector.shape_cast %parallel_loop3A_424 : vector<1x1x16xf32> to vector<16xf32>
      %parallel_loop3A_426 = arith.constant 0 : i32
      %parallel_loop3A_427 = arith.constant 7 : i32
      %parallel_loop3A_428 = arith.index_cast %parallel_loop3A_426 : i32 to index
      %parallel_loop3A_429 = arith.index_cast %parallel_loop3A_427 : i32 to index
      %parallel_loop3A_430 = arith.index_cast %parallel_loop3A_272 : i32 to index
      %parallel_loop3A_431 = tpu.vector_load %arg7[%parallel_loop3A_428, %parallel_loop3A_429, %parallel_loop3A_430] {strides = array<i32>} : memref<2x8x512xf32, #tpu.memory_space<vmem>>, vector<1x1x16xf32>,
      %parallel_loop3A_432 = vector.shape_cast %parallel_loop3A_431 : vector<1x1x16xf32> to vector<16xf32>
      %parallel_loop3A_433 = arith.cmpi slt, %parallel_loop3A_285, %parallel_loop3A_298 : vector<16xi32>
      %parallel_loop3A_434 = arith.minsi %parallel_loop3A_285, %parallel_loop3A_298 : vector<16xi32>
      %parallel_loop3A_435 = arith.maxsi %parallel_loop3A_285, %parallel_loop3A_298 : vector<16xi32>
      %parallel_loop3A_436 = arith.select %parallel_loop3A_433, %parallel_loop3A_383, %parallel_loop3A_390 : vector<16xi1>, vector<16xf32>
      %parallel_loop3A_437 = arith.select %parallel_loop3A_433, %parallel_loop3A_390, %parallel_loop3A_383 : vector<16xi1>, vector<16xf32>
      %parallel_loop3A_438 = arith.cmpi slt, %parallel_loop3A_311, %parallel_loop3A_324 : vector<16xi32>
      %parallel_loop3A_439 = arith.minsi %parallel_loop3A_311, %parallel_loop3A_324 : vector<16xi32>
      %parallel_loop3A_440 = arith.maxsi %parallel_loop3A_311, %parallel_loop3A_324 : vector<16xi32>
      %parallel_loop3A_441 = arith.select %parallel_loop3A_438, %parallel_loop3A_397, %parallel_loop3A_404 : vector<16xi1>, vector<16xf32>
      %parallel_loop3A_442 = arith.select %parallel_loop3A_438, %parallel_loop3A_404, %parallel_loop3A_397 : vector<16xi1>, vector<16xf32>
      %parallel_loop3A_443 = arith.cmpi slt, %parallel_loop3A_434, %parallel_loop3A_439 : vector<16xi32>
      %parallel_loop3A_444 = arith.minsi %parallel_loop3A_434, %parallel_loop3A_439 : vector<16xi32>
      %parallel_loop3A_445 = arith.maxsi %parallel_loop3A_434, %parallel_loop3A_439 : vector<16xi32>
      %parallel_loop3A_446 = arith.select %parallel_loop3A_443, %parallel_loop3A_436, %parallel_loop3A_441 : vector<16xi1>, vector<16xf32>
      %parallel_loop3A_447 = arith.select %parallel_loop3A_443, %parallel_loop3A_441, %parallel_loop3A_436 : vector<16xi1>, vector<16xf32>
      %parallel_loop3A_448 = arith.cmpi slt, %parallel_loop3A_435, %parallel_loop3A_440 : vector<16xi32>
      %parallel_loop3A_449 = arith.minsi %parallel_loop3A_435, %parallel_loop3A_440 : vector<16xi32>
      %parallel_loop3A_450 = arith.maxsi %parallel_loop3A_435, %parallel_loop3A_440 : vector<16xi32>
      %parallel_loop3A_451 = arith.select %parallel_loop3A_448, %parallel_loop3A_437, %parallel_loop3A_442 : vector<16xi1>, vector<16xf32>
      %parallel_loop3A_452 = arith.select %parallel_loop3A_448, %parallel_loop3A_442, %parallel_loop3A_437 : vector<16xi1>, vector<16xf32>
      %parallel_loop3A_453 = arith.cmpi slt, %parallel_loop3A_449, %parallel_loop3A_445 : vector<16xi32>
      %parallel_loop3A_454 = arith.minsi %parallel_loop3A_449, %parallel_loop3A_445 : vector<16xi32>
      %parallel_loop3A_455 = arith.maxsi %parallel_loop3A_449, %parallel_loop3A_445 : vector<16xi32>
      %parallel_loop3A_456 = arith.select %parallel_loop3A_453, %parallel_loop3A_451, %parallel_loop3A_447 : vector<16xi1>, vector<16xf32>
      %parallel_loop3A_457 = arith.select %parallel_loop3A_453, %parallel_loop3A_447, %parallel_loop3A_451 : vector<16xi1>, vector<16xf32>
      %parallel_loop3A_458 = arith.cmpi slt, %parallel_loop3A_337, %parallel_loop3A_350 : vector<16xi32>
      %parallel_loop3A_459 = arith.minsi %parallel_loop3A_337, %parallel_loop3A_350 : vector<16xi32>
      %parallel_loop3A_460 = arith.maxsi %parallel_loop3A_337, %parallel_loop3A_350 : vector<16xi32>
      %parallel_loop3A_461 = arith.select %parallel_loop3A_458, %parallel_loop3A_411, %parallel_loop3A_418 : vector<16xi1>, vector<16xf32>
      %parallel_loop3A_462 = arith.select %parallel_loop3A_458, %parallel_loop3A_418, %parallel_loop3A_411 : vector<16xi1>, vector<16xf32>
      %parallel_loop3A_463 = arith.cmpi slt, %parallel_loop3A_363, %parallel_loop3A_376 : vector<16xi32>
      %parallel_loop3A_464 = arith.minsi %parallel_loop3A_363, %parallel_loop3A_376 : vector<16xi32>
      %parallel_loop3A_465 = arith.maxsi %parallel_loop3A_363, %parallel_loop3A_376 : vector<16xi32>
      %parallel_loop3A_466 = arith.select %parallel_loop3A_463, %parallel_loop3A_425, %parallel_loop3A_432 : vector<16xi1>, vector<16xf32>
      %parallel_loop3A_467 = arith.select %parallel_loop3A_463, %parallel_loop3A_432, %parallel_loop3A_425 : vector<16xi1>, vector<16xf32>
      %parallel_loop3A_468 = arith.cmpi slt, %parallel_loop3A_459, %parallel_loop3A_464 : vector<16xi32>
      %parallel_loop3A_469 = arith.minsi %parallel_loop3A_459, %parallel_loop3A_464 : vector<16xi32>
      %parallel_loop3A_470 = arith.maxsi %parallel_loop3A_459, %parallel_loop3A_464 : vector<16xi32>
      %parallel_loop3A_471 = arith.select %parallel_loop3A_468, %parallel_loop3A_461, %parallel_loop3A_466 : vector<16xi1>, vector<16xf32>
      %parallel_loop3A_472 = arith.select %parallel_loop3A_468, %parallel_loop3A_466, %parallel_loop3A_461 : vector<16xi1>, vector<16xf32>
      %parallel_loop3A_473 = arith.cmpi slt, %parallel_loop3A_460, %parallel_loop3A_465 : vector<16xi32>
      %parallel_loop3A_474 = arith.minsi %parallel_loop3A_460, %parallel_loop3A_465 : vector<16xi32>
      %parallel_loop3A_475 = arith.maxsi %parallel_loop3A_460, %parallel_loop3A_465 : vector<16xi32>
      %parallel_loop3A_476 = arith.select %parallel_loop3A_473, %parallel_loop3A_462, %parallel_loop3A_467 : vector<16xi1>, vector<16xf32>
      %parallel_loop3A_477 = arith.select %parallel_loop3A_473, %parallel_loop3A_467, %parallel_loop3A_462 : vector<16xi1>, vector<16xf32>
      %parallel_loop3A_478 = arith.cmpi slt, %parallel_loop3A_474, %parallel_loop3A_470 : vector<16xi32>
      %parallel_loop3A_479 = arith.minsi %parallel_loop3A_474, %parallel_loop3A_470 : vector<16xi32>
      %parallel_loop3A_480 = arith.maxsi %parallel_loop3A_474, %parallel_loop3A_470 : vector<16xi32>
      %parallel_loop3A_481 = arith.select %parallel_loop3A_478, %parallel_loop3A_476, %parallel_loop3A_472 : vector<16xi1>, vector<16xf32>
      %parallel_loop3A_482 = arith.select %parallel_loop3A_478, %parallel_loop3A_472, %parallel_loop3A_476 : vector<16xi1>, vector<16xf32>
      %parallel_loop3A_483 = arith.cmpi slt, %parallel_loop3A_444, %parallel_loop3A_469 : vector<16xi32>
      %parallel_loop3A_484 = arith.minsi %parallel_loop3A_444, %parallel_loop3A_469 : vector<16xi32>
      %parallel_loop3A_485 = arith.maxsi %parallel_loop3A_444, %parallel_loop3A_469 : vector<16xi32>
      %parallel_loop3A_486 = arith.select %parallel_loop3A_483, %parallel_loop3A_446, %parallel_loop3A_471 : vector<16xi1>, vector<16xf32>
      %parallel_loop3A_487 = arith.select %parallel_loop3A_483, %parallel_loop3A_471, %parallel_loop3A_446 : vector<16xi1>, vector<16xf32>
      %parallel_loop3A_488 = arith.cmpi slt, %parallel_loop3A_454, %parallel_loop3A_479 : vector<16xi32>
      %parallel_loop3A_489 = arith.minsi %parallel_loop3A_454, %parallel_loop3A_479 : vector<16xi32>
      %parallel_loop3A_490 = arith.maxsi %parallel_loop3A_454, %parallel_loop3A_479 : vector<16xi32>
      %parallel_loop3A_491 = arith.select %parallel_loop3A_488, %parallel_loop3A_456, %parallel_loop3A_481 : vector<16xi1>, vector<16xf32>
      %parallel_loop3A_492 = arith.select %parallel_loop3A_488, %parallel_loop3A_481, %parallel_loop3A_456 : vector<16xi1>, vector<16xf32>
      %parallel_loop3A_493 = arith.cmpi slt, %parallel_loop3A_455, %parallel_loop3A_480 : vector<16xi32>
      %parallel_loop3A_494 = arith.minsi %parallel_loop3A_455, %parallel_loop3A_480 : vector<16xi32>
      %parallel_loop3A_495 = arith.maxsi %parallel_loop3A_455, %parallel_loop3A_480 : vector<16xi32>
      %parallel_loop3A_496 = arith.select %parallel_loop3A_493, %parallel_loop3A_457, %parallel_loop3A_482 : vector<16xi1>, vector<16xf32>
      %parallel_loop3A_497 = arith.select %parallel_loop3A_493, %parallel_loop3A_482, %parallel_loop3A_457 : vector<16xi1>, vector<16xf32>
      %parallel_loop3A_498 = arith.cmpi slt, %parallel_loop3A_450, %parallel_loop3A_475 : vector<16xi32>
      %parallel_loop3A_499 = arith.minsi %parallel_loop3A_450, %parallel_loop3A_475 : vector<16xi32>
      %parallel_loop3A_500 = arith.maxsi %parallel_loop3A_450, %parallel_loop3A_475 : vector<16xi32>
      %parallel_loop3A_501 = arith.select %parallel_loop3A_498, %parallel_loop3A_452, %parallel_loop3A_477 : vector<16xi1>, vector<16xf32>
      %parallel_loop3A_502 = arith.select %parallel_loop3A_498, %parallel_loop3A_477, %parallel_loop3A_452 : vector<16xi1>, vector<16xf32>
      %parallel_loop3A_503 = arith.cmpi slt, %parallel_loop3A_494, %parallel_loop3A_485 : vector<16xi32>
      %parallel_loop3A_504 = arith.minsi %parallel_loop3A_494, %parallel_loop3A_485 : vector<16xi32>
      %parallel_loop3A_505 = arith.maxsi %parallel_loop3A_494, %parallel_loop3A_485 : vector<16xi32>
      %parallel_loop3A_506 = arith.select %parallel_loop3A_503, %parallel_loop3A_496, %parallel_loop3A_487 : vector<16xi1>, vector<16xf32>
      %parallel_loop3A_507 = arith.select %parallel_loop3A_503, %parallel_loop3A_487, %parallel_loop3A_496 : vector<16xi1>, vector<16xf32>
      %parallel_loop3A_508 = arith.cmpi slt, %parallel_loop3A_499, %parallel_loop3A_490 : vector<16xi32>
      %parallel_loop3A_509 = arith.minsi %parallel_loop3A_499, %parallel_loop3A_490 : vector<16xi32>
      %parallel_loop3A_510 = arith.maxsi %parallel_loop3A_499, %parallel_loop3A_490 : vector<16xi32>
      %parallel_loop3A_511 = arith.select %parallel_loop3A_508, %parallel_loop3A_501, %parallel_loop3A_492 : vector<16xi1>, vector<16xf32>
      %parallel_loop3A_512 = arith.select %parallel_loop3A_508, %parallel_loop3A_492, %parallel_loop3A_501 : vector<16xi1>, vector<16xf32>
      %parallel_loop3A_513 = arith.cmpi slt, %parallel_loop3A_489, %parallel_loop3A_504 : vector<16xi32>
      %parallel_loop3A_514 = arith.minsi %parallel_loop3A_489, %parallel_loop3A_504 : vector<16xi32>
      %parallel_loop3A_515 = arith.maxsi %parallel_loop3A_489, %parallel_loop3A_504 : vector<16xi32>
      %parallel_loop3A_516 = arith.select %parallel_loop3A_513, %parallel_loop3A_491, %parallel_loop3A_506 : vector<16xi1>, vector<16xf32>
      %parallel_loop3A_517 = arith.select %parallel_loop3A_513, %parallel_loop3A_506, %parallel_loop3A_491 : vector<16xi1>, vector<16xf32>
      %parallel_loop3A_518 = arith.cmpi slt, %parallel_loop3A_509, %parallel_loop3A_505 : vector<16xi32>
      %parallel_loop3A_519 = arith.minsi %parallel_loop3A_509, %parallel_loop3A_505 : vector<16xi32>
      %parallel_loop3A_520 = arith.maxsi %parallel_loop3A_509, %parallel_loop3A_505 : vector<16xi32>
      %parallel_loop3A_521 = arith.select %parallel_loop3A_518, %parallel_loop3A_511, %parallel_loop3A_507 : vector<16xi1>, vector<16xf32>
      %parallel_loop3A_522 = arith.select %parallel_loop3A_518, %parallel_loop3A_507, %parallel_loop3A_511 : vector<16xi1>, vector<16xf32>
      %parallel_loop3A_523 = arith.cmpi slt, %parallel_loop3A_510, %parallel_loop3A_495 : vector<16xi32>
      %parallel_loop3A_524 = arith.minsi %parallel_loop3A_510, %parallel_loop3A_495 : vector<16xi32>
      %parallel_loop3A_525 = arith.maxsi %parallel_loop3A_510, %parallel_loop3A_495 : vector<16xi32>
      %parallel_loop3A_526 = arith.select %parallel_loop3A_523, %parallel_loop3A_512, %parallel_loop3A_497 : vector<16xi1>, vector<16xf32>
      %parallel_loop3A_527 = arith.select %parallel_loop3A_523, %parallel_loop3A_497, %parallel_loop3A_512 : vector<16xi1>, vector<16xf32>
      %parallel_loop3A_528 = arith.constant 0 : i32
      %parallel_loop3A_529 = arith.constant 0 : i32
      %parallel_loop3A_530 = arith.index_cast %parallel_loop3A_528 : i32 to index
      %parallel_loop3A_531 = arith.index_cast %parallel_loop3A_529 : i32 to index
      %parallel_loop3A_532 = arith.index_cast %parallel_loop3A_272 : i32 to index
      %parallel_loop3A_533 = tpu.vector_load %arg8[%parallel_loop3A_530, %parallel_loop3A_531, %parallel_loop3A_532] {strides = array<i32>} : memref<2x8x512xf32, #tpu.memory_space<vmem>>, vector<1x1x16xf32>,
      %parallel_loop3A_534 = vector.shape_cast %parallel_loop3A_533 : vector<1x1x16xf32> to vector<16xf32>
      %parallel_loop3A_535 = vector.shape_cast %parallel_loop3A_486 : vector<16xf32> to vector<1x1x16xf32>
      tpu.vector_store %arg8[%parallel_loop3A_530, %parallel_loop3A_531, %parallel_loop3A_532], %parallel_loop3A_535 {strides = array<i32>} : memref<2x8x512xf32, #tpu.memory_space<vmem>>, vector<1x1x16xf32>,
      %parallel_loop3A_536 = arith.constant 7 : i32
      %parallel_loop3A_537 = vector.broadcast %parallel_loop3A_536 : i32 to vector<16xi32>
      %parallel_loop3A_538 = arith.andi %parallel_loop3A_484, %parallel_loop3A_537 : vector<16xi32>
      %parallel_loop3A_539 = arith.constant 3 : i32
      %parallel_loop3A_540 = vector.broadcast %parallel_loop3A_539 : i32 to vector<16xi32>
      %parallel_loop3A_541 = arith.shrsi %parallel_loop3A_538, %parallel_loop3A_540 : vector<16xi32>
      %parallel_loop3A_542 = arith.constant 0 : i32
      %parallel_loop3A_543 = arith.constant 0 : i32
      %parallel_loop3A_544 = arith.index_cast %parallel_loop3A_542 : i32 to index
      %parallel_loop3A_545 = arith.index_cast %parallel_loop3A_543 : i32 to index
      %parallel_loop3A_546 = arith.index_cast %parallel_loop3A_272 : i32 to index
      %parallel_loop3A_547 = tpu.vector_load %arg9[%parallel_loop3A_544, %parallel_loop3A_545, %parallel_loop3A_546] {strides = array<i32>} : memref<2x8x512xi32, #tpu.memory_space<vmem>>, vector<1x1x16xi32>,
      %parallel_loop3A_548 = vector.shape_cast %parallel_loop3A_547 : vector<1x1x16xi32> to vector<16xi32>
      %parallel_loop3A_549 = vector.shape_cast %parallel_loop3A_541 : vector<16xi32> to vector<1x1x16xi32>
      tpu.vector_store %arg9[%parallel_loop3A_544, %parallel_loop3A_545, %parallel_loop3A_546], %parallel_loop3A_549 {strides = array<i32>} : memref<2x8x512xi32, #tpu.memory_space<vmem>>, vector<1x1x16xi32>,
      %parallel_loop3A_550 = arith.constant 0 : i32
      %parallel_loop3A_551 = arith.constant 1 : i32
      %parallel_loop3A_552 = arith.index_cast %parallel_loop3A_550 : i32 to index
      %parallel_loop3A_553 = arith.index_cast %parallel_loop3A_551 : i32 to index
      %parallel_loop3A_554 = arith.index_cast %parallel_loop3A_272 : i32 to index
      %parallel_loop3A_555 = tpu.vector_load %arg8[%parallel_loop3A_552, %parallel_loop3A_553, %parallel_loop3A_554] {strides = array<i32>} : memref<2x8x512xf32, #tpu.memory_space<vmem>>, vector<1x1x16xf32>,
      %parallel_loop3A_556 = vector.shape_cast %parallel_loop3A_555 : vector<1x1x16xf32> to vector<16xf32>
      %parallel_loop3A_557 = vector.shape_cast %parallel_loop3A_516 : vector<16xf32> to vector<1x1x16xf32>
      tpu.vector_store %arg8[%parallel_loop3A_552, %parallel_loop3A_553, %parallel_loop3A_554], %parallel_loop3A_557 {strides = array<i32>} : memref<2x8x512xf32, #tpu.memory_space<vmem>>, vector<1x1x16xf32>,
      %parallel_loop3A_558 = arith.constant 7 : i32
      %parallel_loop3A_559 = vector.broadcast %parallel_loop3A_558 : i32 to vector<16xi32>
      %parallel_loop3A_560 = arith.andi %parallel_loop3A_514, %parallel_loop3A_559 : vector<16xi32>
      %parallel_loop3A_561 = arith.constant 3 : i32
      %parallel_loop3A_562 = vector.broadcast %parallel_loop3A_561 : i32 to vector<16xi32>
      %parallel_loop3A_563 = arith.shrsi %parallel_loop3A_560, %parallel_loop3A_562 : vector<16xi32>
      %parallel_loop3A_564 = arith.constant 0 : i32
      %parallel_loop3A_565 = arith.constant 1 : i32
      %parallel_loop3A_566 = arith.index_cast %parallel_loop3A_564 : i32 to index
      %parallel_loop3A_567 = arith.index_cast %parallel_loop3A_565 : i32 to index
      %parallel_loop3A_568 = arith.index_cast %parallel_loop3A_272 : i32 to index
      %parallel_loop3A_569 = tpu.vector_load %arg9[%parallel_loop3A_566, %parallel_loop3A_567, %parallel_loop3A_568] {strides = array<i32>} : memref<2x8x512xi32, #tpu.memory_space<vmem>>, vector<1x1x16xi32>,
      %parallel_loop3A_570 = vector.shape_cast %parallel_loop3A_569 : vector<1x1x16xi32> to vector<16xi32>
      %parallel_loop3A_571 = vector.shape_cast %parallel_loop3A_563 : vector<16xi32> to vector<1x1x16xi32>
      tpu.vector_store %arg9[%parallel_loop3A_566, %parallel_loop3A_567, %parallel_loop3A_568], %parallel_loop3A_571 {strides = array<i32>} : memref<2x8x512xi32, #tpu.memory_space<vmem>>, vector<1x1x16xi32>,
      %parallel_loop3A_572 = arith.constant 0 : i32
      %parallel_loop3A_573 = arith.constant 2 : i32
      %parallel_loop3A_574 = arith.index_cast %parallel_loop3A_572 : i32 to index
      %parallel_loop3A_575 = arith.index_cast %parallel_loop3A_573 : i32 to index
      %parallel_loop3A_576 = arith.index_cast %parallel_loop3A_272 : i32 to index
      %parallel_loop3A_577 = tpu.vector_load %arg8[%parallel_loop3A_574, %parallel_loop3A_575, %parallel_loop3A_576] {strides = array<i32>} : memref<2x8x512xf32, #tpu.memory_space<vmem>>, vector<1x1x16xf32>,
      %parallel_loop3A_578 = vector.shape_cast %parallel_loop3A_577 : vector<1x1x16xf32> to vector<16xf32>
      %parallel_loop3A_579 = vector.shape_cast %parallel_loop3A_517 : vector<16xf32> to vector<1x1x16xf32>
      tpu.vector_store %arg8[%parallel_loop3A_574, %parallel_loop3A_575, %parallel_loop3A_576], %parallel_loop3A_579 {strides = array<i32>} : memref<2x8x512xf32, #tpu.memory_space<vmem>>, vector<1x1x16xf32>,
      %parallel_loop3A_580 = arith.constant 7 : i32
      %parallel_loop3A_581 = vector.broadcast %parallel_loop3A_580 : i32 to vector<16xi32>
      %parallel_loop3A_582 = arith.andi %parallel_loop3A_515, %parallel_loop3A_581 : vector<16xi32>
      %parallel_loop3A_583 = arith.constant 3 : i32
      %parallel_loop3A_584 = vector.broadcast %parallel_loop3A_583 : i32 to vector<16xi32>
      %parallel_loop3A_585 = arith.shrsi %parallel_loop3A_582, %parallel_loop3A_584 : vector<16xi32>
      %parallel_loop3A_586 = arith.constant 0 : i32
      %parallel_loop3A_587 = arith.constant 2 : i32
      %parallel_loop3A_588 = arith.index_cast %parallel_loop3A_586 : i32 to index
      %parallel_loop3A_589 = arith.index_cast %parallel_loop3A_587 : i32 to index
      %parallel_loop3A_590 = arith.index_cast %parallel_loop3A_272 : i32 to index
      %parallel_loop3A_591 = tpu.vector_load %arg9[%parallel_loop3A_588, %parallel_loop3A_589, %parallel_loop3A_590] {strides = array<i32>} : memref<2x8x512xi32, #tpu.memory_space<vmem>>, vector<1x1x16xi32>,
      %parallel_loop3A_592 = vector.shape_cast %parallel_loop3A_591 : vector<1x1x16xi32> to vector<16xi32>
      %parallel_loop3A_593 = vector.shape_cast %parallel_loop3A_585 : vector<16xi32> to vector<1x1x16xi32>
      tpu.vector_store %arg9[%parallel_loop3A_588, %parallel_loop3A_589, %parallel_loop3A_590], %parallel_loop3A_593 {strides = array<i32>} : memref<2x8x512xi32, #tpu.memory_space<vmem>>, vector<1x1x16xi32>,
      %parallel_loop3A_594 = arith.constant 0 : i32
      %parallel_loop3A_595 = arith.constant 3 : i32
      %parallel_loop3A_596 = arith.index_cast %parallel_loop3A_594 : i32 to index
      %parallel_loop3A_597 = arith.index_cast %parallel_loop3A_595 : i32 to index
      %parallel_loop3A_598 = arith.index_cast %parallel_loop3A_272 : i32 to index
      %parallel_loop3A_599 = tpu.vector_load %arg8[%parallel_loop3A_596, %parallel_loop3A_597, %parallel_loop3A_598] {strides = array<i32>} : memref<2x8x512xf32, #tpu.memory_space<vmem>>, vector<1x1x16xf32>,
      %parallel_loop3A_600 = vector.shape_cast %parallel_loop3A_599 : vector<1x1x16xf32> to vector<16xf32>
      %parallel_loop3A_601 = vector.shape_cast %parallel_loop3A_521 : vector<16xf32> to vector<1x1x16xf32>
      tpu.vector_store %arg8[%parallel_loop3A_596, %parallel_loop3A_597, %parallel_loop3A_598], %parallel_loop3A_601 {strides = array<i32>} : memref<2x8x512xf32, #tpu.memory_space<vmem>>, vector<1x1x16xf32>,
      %parallel_loop3A_602 = arith.constant 7 : i32
      %parallel_loop3A_603 = vector.broadcast %parallel_loop3A_602 : i32 to vector<16xi32>
      %parallel_loop3A_604 = arith.andi %parallel_loop3A_519, %parallel_loop3A_603 : vector<16xi32>
      %parallel_loop3A_605 = arith.constant 3 : i32
      %parallel_loop3A_606 = vector.broadcast %parallel_loop3A_605 : i32 to vector<16xi32>
      %parallel_loop3A_607 = arith.shrsi %parallel_loop3A_604, %parallel_loop3A_606 : vector<16xi32>
      %parallel_loop3A_608 = arith.constant 0 : i32
      %parallel_loop3A_609 = arith.constant 3 : i32
      %parallel_loop3A_610 = arith.index_cast %parallel_loop3A_608 : i32 to index
      %parallel_loop3A_611 = arith.index_cast %parallel_loop3A_609 : i32 to index
      %parallel_loop3A_612 = arith.index_cast %parallel_loop3A_272 : i32 to index
      %parallel_loop3A_613 = tpu.vector_load %arg9[%parallel_loop3A_610, %parallel_loop3A_611, %parallel_loop3A_612] {strides = array<i32>} : memref<2x8x512xi32, #tpu.memory_space<vmem>>, vector<1x1x16xi32>,
      %parallel_loop3A_614 = vector.shape_cast %parallel_loop3A_613 : vector<1x1x16xi32> to vector<16xi32>
      %parallel_loop3A_615 = vector.shape_cast %parallel_loop3A_607 : vector<16xi32> to vector<1x1x16xi32>
      tpu.vector_store %arg9[%parallel_loop3A_610, %parallel_loop3A_611, %parallel_loop3A_612], %parallel_loop3A_615 {strides = array<i32>} : memref<2x8x512xi32, #tpu.memory_space<vmem>>, vector<1x1x16xi32>,
      %parallel_loop3A_616 = arith.constant 0 : i32
      %parallel_loop3A_617 = arith.constant 4 : i32
      %parallel_loop3A_618 = arith.index_cast %parallel_loop3A_616 : i32 to index
      %parallel_loop3A_619 = arith.index_cast %parallel_loop3A_617 : i32 to index
      %parallel_loop3A_620 = arith.index_cast %parallel_loop3A_272 : i32 to index
      %parallel_loop3A_621 = tpu.vector_load %arg8[%parallel_loop3A_618, %parallel_loop3A_619, %parallel_loop3A_620] {strides = array<i32>} : memref<2x8x512xf32, #tpu.memory_space<vmem>>, vector<1x1x16xf32>,
      %parallel_loop3A_622 = vector.shape_cast %parallel_loop3A_621 : vector<1x1x16xf32> to vector<16xf32>
      %parallel_loop3A_623 = vector.shape_cast %parallel_loop3A_522 : vector<16xf32> to vector<1x1x16xf32>
      tpu.vector_store %arg8[%parallel_loop3A_618, %parallel_loop3A_619, %parallel_loop3A_620], %parallel_loop3A_623 {strides = array<i32>} : memref<2x8x512xf32, #tpu.memory_space<vmem>>, vector<1x1x16xf32>,
      %parallel_loop3A_624 = arith.constant 7 : i32
      %parallel_loop3A_625 = vector.broadcast %parallel_loop3A_624 : i32 to vector<16xi32>
      %parallel_loop3A_626 = arith.andi %parallel_loop3A_520, %parallel_loop3A_625 : vector<16xi32>
      %parallel_loop3A_627 = arith.constant 3 : i32
      %parallel_loop3A_628 = vector.broadcast %parallel_loop3A_627 : i32 to vector<16xi32>
      %parallel_loop3A_629 = arith.shrsi %parallel_loop3A_626, %parallel_loop3A_628 : vector<16xi32>
      %parallel_loop3A_630 = arith.constant 0 : i32
      %parallel_loop3A_631 = arith.constant 4 : i32
      %parallel_loop3A_632 = arith.index_cast %parallel_loop3A_630 : i32 to index
      %parallel_loop3A_633 = arith.index_cast %parallel_loop3A_631 : i32 to index
      %parallel_loop3A_634 = arith.index_cast %parallel_loop3A_272 : i32 to index
      %parallel_loop3A_635 = tpu.vector_load %arg9[%parallel_loop3A_632, %parallel_loop3A_633, %parallel_loop3A_634] {strides = array<i32>} : memref<2x8x512xi32, #tpu.memory_space<vmem>>, vector<1x1x16xi32>,
      %parallel_loop3A_636 = vector.shape_cast %parallel_loop3A_635 : vector<1x1x16xi32> to vector<16xi32>
      %parallel_loop3A_637 = vector.shape_cast %parallel_loop3A_629 : vector<16xi32> to vector<1x1x16xi32>
      tpu.vector_store %arg9[%parallel_loop3A_632, %parallel_loop3A_633, %parallel_loop3A_634], %parallel_loop3A_637 {strides = array<i32>} : memref<2x8x512xi32, #tpu.memory_space<vmem>>, vector<1x1x16xi32>,
      %parallel_loop3A_638 = arith.constant 0 : i32
      %parallel_loop3A_639 = arith.constant 5 : i32
      %parallel_loop3A_640 = arith.index_cast %parallel_loop3A_638 : i32 to index
      %parallel_loop3A_641 = arith.index_cast %parallel_loop3A_639 : i32 to index
      %parallel_loop3A_642 = arith.index_cast %parallel_loop3A_272 : i32 to index
      %parallel_loop3A_643 = tpu.vector_load %arg8[%parallel_loop3A_640, %parallel_loop3A_641, %parallel_loop3A_642] {strides = array<i32>} : memref<2x8x512xf32, #tpu.memory_space<vmem>>, vector<1x1x16xf32>,
      %parallel_loop3A_644 = vector.shape_cast %parallel_loop3A_643 : vector<1x1x16xf32> to vector<16xf32>
      %parallel_loop3A_645 = vector.shape_cast %parallel_loop3A_526 : vector<16xf32> to vector<1x1x16xf32>
      tpu.vector_store %arg8[%parallel_loop3A_640, %parallel_loop3A_641, %parallel_loop3A_642], %parallel_loop3A_645 {strides = array<i32>} : memref<2x8x512xf32, #tpu.memory_space<vmem>>, vector<1x1x16xf32>,
      %parallel_loop3A_646 = arith.constant 7 : i32
      %parallel_loop3A_647 = vector.broadcast %parallel_loop3A_646 : i32 to vector<16xi32>
      %parallel_loop3A_648 = arith.andi %parallel_loop3A_524, %parallel_loop3A_647 : vector<16xi32>
      %parallel_loop3A_649 = arith.constant 3 : i32
      %parallel_loop3A_650 = vector.broadcast %parallel_loop3A_649 : i32 to vector<16xi32>
      %parallel_loop3A_651 = arith.shrsi %parallel_loop3A_648, %parallel_loop3A_650 : vector<16xi32>
      %parallel_loop3A_652 = arith.constant 0 : i32
      %parallel_loop3A_653 = arith.constant 5 : i32
      %parallel_loop3A_654 = arith.index_cast %parallel_loop3A_652 : i32 to index
      %parallel_loop3A_655 = arith.index_cast %parallel_loop3A_653 : i32 to index
      %parallel_loop3A_656 = arith.index_cast %parallel_loop3A_272 : i32 to index
      %parallel_loop3A_657 = tpu.vector_load %arg9[%parallel_loop3A_654, %parallel_loop3A_655, %parallel_loop3A_656] {strides = array<i32>} : memref<2x8x512xi32, #tpu.memory_space<vmem>>, vector<1x1x16xi32>,
      %parallel_loop3A_658 = vector.shape_cast %parallel_loop3A_657 : vector<1x1x16xi32> to vector<16xi32>
      %parallel_loop3A_659 = vector.shape_cast %parallel_loop3A_651 : vector<16xi32> to vector<1x1x16xi32>
      tpu.vector_store %arg9[%parallel_loop3A_654, %parallel_loop3A_655, %parallel_loop3A_656], %parallel_loop3A_659 {strides = array<i32>} : memref<2x8x512xi32, #tpu.memory_space<vmem>>, vector<1x1x16xi32>,
      %parallel_loop3A_660 = arith.constant 0 : i32
      %parallel_loop3A_661 = arith.constant 6 : i32
      %parallel_loop3A_662 = arith.index_cast %parallel_loop3A_660 : i32 to index
      %parallel_loop3A_663 = arith.index_cast %parallel_loop3A_661 : i32 to index
      %parallel_loop3A_664 = arith.index_cast %parallel_loop3A_272 : i32 to index
      %parallel_loop3A_665 = tpu.vector_load %arg8[%parallel_loop3A_662, %parallel_loop3A_663, %parallel_loop3A_664] {strides = array<i32>} : memref<2x8x512xf32, #tpu.memory_space<vmem>>, vector<1x1x16xf32>,
      %parallel_loop3A_666 = vector.shape_cast %parallel_loop3A_665 : vector<1x1x16xf32> to vector<16xf32>
      %parallel_loop3A_667 = vector.shape_cast %parallel_loop3A_527 : vector<16xf32> to vector<1x1x16xf32>
      tpu.vector_store %arg8[%parallel_loop3A_662, %parallel_loop3A_663, %parallel_loop3A_664], %parallel_loop3A_667 {strides = array<i32>} : memref<2x8x512xf32, #tpu.memory_space<vmem>>, vector<1x1x16xf32>,
      %parallel_loop3A_668 = arith.constant 7 : i32
      %parallel_loop3A_669 = vector.broadcast %parallel_loop3A_668 : i32 to vector<16xi32>
      %parallel_loop3A_670 = arith.andi %parallel_loop3A_525, %parallel_loop3A_669 : vector<16xi32>
      %parallel_loop3A_671 = arith.constant 3 : i32
      %parallel_loop3A_672 = vector.broadcast %parallel_loop3A_671 : i32 to vector<16xi32>
      %parallel_loop3A_673 = arith.shrsi %parallel_loop3A_670, %parallel_loop3A_672 : vector<16xi32>
      %parallel_loop3A_674 = arith.constant 0 : i32
      %parallel_loop3A_675 = arith.constant 6 : i32
      %parallel_loop3A_676 = arith.index_cast %parallel_loop3A_674 : i32 to index
      %parallel_loop3A_677 = arith.index_cast %parallel_loop3A_675 : i32 to index
      %parallel_loop3A_678 = arith.index_cast %parallel_loop3A_272 : i32 to index
      %parallel_loop3A_679 = tpu.vector_load %arg9[%parallel_loop3A_676, %parallel_loop3A_677, %parallel_loop3A_678] {strides = array<i32>} : memref<2x8x512xi32, #tpu.memory_space<vmem>>, vector<1x1x16xi32>,
      %parallel_loop3A_680 = vector.shape_cast %parallel_loop3A_679 : vector<1x1x16xi32> to vector<16xi32>
      %parallel_loop3A_681 = vector.shape_cast %parallel_loop3A_673 : vector<16xi32> to vector<1x1x16xi32>
      tpu.vector_store %arg9[%parallel_loop3A_676, %parallel_loop3A_677, %parallel_loop3A_678], %parallel_loop3A_681 {strides = array<i32>} : memref<2x8x512xi32, #tpu.memory_space<vmem>>, vector<1x1x16xi32>,
      %parallel_loop3A_682 = arith.constant 0 : i32
      %parallel_loop3A_683 = arith.constant 7 : i32
      %parallel_loop3A_684 = arith.index_cast %parallel_loop3A_682 : i32 to index
      %parallel_loop3A_685 = arith.index_cast %parallel_loop3A_683 : i32 to index
      %parallel_loop3A_686 = arith.index_cast %parallel_loop3A_272 : i32 to index
      %parallel_loop3A_687 = tpu.vector_load %arg8[%parallel_loop3A_684, %parallel_loop3A_685, %parallel_loop3A_686] {strides = array<i32>} : memref<2x8x512xf32, #tpu.memory_space<vmem>>, vector<1x1x16xf32>,
      %parallel_loop3A_688 = vector.shape_cast %parallel_loop3A_687 : vector<1x1x16xf32> to vector<16xf32>
      %parallel_loop3A_689 = vector.shape_cast %parallel_loop3A_502 : vector<16xf32> to vector<1x1x16xf32>
      tpu.vector_store %arg8[%parallel_loop3A_684, %parallel_loop3A_685, %parallel_loop3A_686], %parallel_loop3A_689 {strides = array<i32>} : memref<2x8x512xf32, #tpu.memory_space<vmem>>, vector<1x1x16xf32>,
      %parallel_loop3A_690 = arith.constant 7 : i32
      %parallel_loop3A_691 = vector.broadcast %parallel_loop3A_690 : i32 to vector<16xi32>
      %parallel_loop3A_692 = arith.andi %parallel_loop3A_500, %parallel_loop3A_691 : vector<16xi32>
      %parallel_loop3A_693 = arith.constant 3 : i32
      %parallel_loop3A_694 = vector.broadcast %parallel_loop3A_693 : i32 to vector<16xi32>
      %parallel_loop3A_695 = arith.shrsi %parallel_loop3A_692, %parallel_loop3A_694 : vector<16xi32>
      %parallel_loop3A_696 = arith.constant 0 : i32
      %parallel_loop3A_697 = arith.constant 7 : i32
      %parallel_loop3A_698 = arith.index_cast %parallel_loop3A_696 : i32 to index
      %parallel_loop3A_699 = arith.index_cast %parallel_loop3A_697 : i32 to index
      %parallel_loop3A_700 = arith.index_cast %parallel_loop3A_272 : i32 to index
      %parallel_loop3A_701 = tpu.vector_load %arg9[%parallel_loop3A_698, %parallel_loop3A_699, %parallel_loop3A_700] {strides = array<i32>} : memref<2x8x512xi32, #tpu.memory_space<vmem>>, vector<1x1x16xi32>,
      %parallel_loop3A_702 = vector.shape_cast %parallel_loop3A_701 : vector<1x1x16xi32> to vector<16xi32>
      %parallel_loop3A_703 = vector.shape_cast %parallel_loop3A_695 : vector<16xi32> to vector<1x1x16xi32>
      tpu.vector_store %arg9[%parallel_loop3A_698, %parallel_loop3A_699, %parallel_loop3A_700], %parallel_loop3A_703 {strides = array<i32>} : memref<2x8x512xi32, #tpu.memory_space<vmem>>, vector<1x1x16xi32>,
    } {sc.loop_unroll_factor = 4 : i64, sc.parallel_access}
    %add3A_103 = arith.constant 0 : i32
    %add3A_104 = arith.addi %mul3A_2, %add3A_103 : i32
    %dma_start3A_105 = arith.constant 0 : i32
    %dma_start3A_106 = arith.constant 0 : i32
    %dma_start3A_107 = arith.constant 0 : i32
    %dma_start3A_108 = arith.constant 0 : i32
    %dma_start3A_109 = tpu.memref_slice %arg8[%dma_start3A_105, %dma_start3A_107, %dma_start3A_108] : memref<2x8x512xf32, #tpu.memory_space<vmem>> -> memref<1x8x512xf32, #tpu.memory_space<vmem>>
    %dma_start3A_110 = tpu.memref_squeeze %dma_start3A_109 : memref<1x8x512xf32, #tpu.memory_space<vmem>> -> memref<8x512xf32, #tpu.memory_space<vmem>>
    %dma_start3A_111 = arith.constant 0 : i32
    %dma_start3A_112 = tpu.memref_slice %arg4[%dma_start3A_111, %add3A_104] : memref<8x32768xf32, #tpu.memory_space<hbm>> -> memref<8x512xf32, #tpu.memory_space<hbm>>
    %dma_start3A_113 = tpu.memref_slice %arg11[%dma_start3A_106] : memref<2x!tpu.dma_semaphore, #tpu.memory_space<semaphore_mem>> -> memref<1x!tpu.dma_semaphore, #tpu.memory_space<semaphore_mem>>
    %dma_start3A_114 = tpu.memref_squeeze %dma_start3A_113 : memref<1x!tpu.dma_semaphore, #tpu.memory_space<semaphore_mem>> -> memref<!tpu.dma_semaphore, #tpu.memory_space<semaphore_mem>>
    %dma_start3A_115 = arith.constant 0 : i32
    %dma_start3A_116 = tpu.memref_slice %arg4[%dma_start3A_115, %add3A_104] : memref<8x32768xf32, #tpu.memory_space<hbm>> -> memref<8x512xf32, #tpu.memory_space<hbm>>
    %dma_start3A_117 = arith.constant 0 : i32
    %dma_start3A_118 = arith.constant 0 : i32
    %dma_start3A_119 = tpu.memref_slice %arg8[%dma_start3A_105, %dma_start3A_117, %dma_start3A_118] : memref<2x8x512xf32, #tpu.memory_space<vmem>> -> memref<1x8x512xf32, #tpu.memory_space<vmem>>
    %dma_start3A_120 = tpu.memref_squeeze %dma_start3A_119 : memref<1x8x512xf32, #tpu.memory_space<vmem>> -> memref<8x512xf32, #tpu.memory_space<vmem>>
    tpu.enqueue_dma source(%dma_start3A_120 : memref<8x512xf32, #tpu.memory_space<vmem>>) target(%dma_start3A_116 : memref<8x512xf32, #tpu.memory_space<hbm>>) target_semaphore(%dma_start3A_114 : memref<!tpu.dma_semaphore, #tpu.memory_space<semaphore_mem>>)
    %dma_start3A_121 = arith.constant 0 : i32
    %dma_start3A_122 = arith.constant 0 : i32
    %dma_start3A_123 = arith.constant 0 : i32
    %dma_start3A_124 = arith.constant 0 : i32
    %dma_start3A_125 = tpu.memref_slice %arg9[%dma_start3A_121, %dma_start3A_123, %dma_start3A_124] : memref<2x8x512xi32, #tpu.memory_space<vmem>> -> memref<1x8x512xi32, #tpu.memory_space<vmem>>
    %dma_start3A_126 = tpu.memref_squeeze %dma_start3A_125 : memref<1x8x512xi32, #tpu.memory_space<vmem>> -> memref<8x512xi32, #tpu.memory_space<vmem>>
    %dma_start3A_127 = arith.constant 0 : i32
    %dma_start3A_128 = tpu.memref_slice %arg5[%dma_start3A_127, %add3A_104] : memref<8x32768xi32, #tpu.memory_space<hbm>> -> memref<8x512xi32, #tpu.memory_space<hbm>>
    %dma_start3A_129 = tpu.memref_slice %arg11[%dma_start3A_122] : memref<2x!tpu.dma_semaphore, #tpu.memory_space<semaphore_mem>> -> memref<1x!tpu.dma_semaphore, #tpu.memory_space<semaphore_mem>>
    %dma_start3A_130 = tpu.memref_squeeze %dma_start3A_129 : memref<1x!tpu.dma_semaphore, #tpu.memory_space<semaphore_mem>> -> memref<!tpu.dma_semaphore, #tpu.memory_space<semaphore_mem>>
    %dma_start3A_131 = arith.constant 0 : i32
    %dma_start3A_132 = tpu.memref_slice %arg5[%dma_start3A_131, %add3A_104] : memref<8x32768xi32, #tpu.memory_space<hbm>> -> memref<8x512xi32, #tpu.memory_space<hbm>>
    %dma_start3A_133 = arith.constant 0 : i32
    %dma_start3A_134 = arith.constant 0 : i32
    %dma_start3A_135 = tpu.memref_slice %arg9[%dma_start3A_121, %dma_start3A_133, %dma_start3A_134] : memref<2x8x512xi32, #tpu.memory_space<vmem>> -> memref<1x8x512xi32, #tpu.memory_space<vmem>>
    %dma_start3A_136 = tpu.memref_squeeze %dma_start3A_135 : memref<1x8x512xi32, #tpu.memory_space<vmem>> -> memref<8x512xi32, #tpu.memory_space<vmem>>
    tpu.enqueue_dma source(%dma_start3A_136 : memref<8x512xi32, #tpu.memory_space<vmem>>) target(%dma_start3A_132 : memref<8x512xi32, #tpu.memory_space<hbm>>) target_semaphore(%dma_start3A_130 : memref<!tpu.dma_semaphore, #tpu.memory_space<semaphore_mem>>)
    %dma_wait3A_137 = arith.constant 1 : i32
    %dma_wait3A_138 = arith.constant 1 : i32
    %dma_wait3A_139 = arith.constant 0 : i32
    %dma_wait3A_140 = arith.constant 0 : i32
    %dma_wait3A_141 = tpu.memref_slice %arg6[%dma_wait3A_137, %dma_wait3A_139, %dma_wait3A_140] : memref<2x8x512xi32, #tpu.memory_space<vmem>> -> memref<1x8x512xi32, #tpu.memory_space<vmem>>
    %dma_wait3A_142 = tpu.memref_squeeze %dma_wait3A_141 : memref<1x8x512xi32, #tpu.memory_space<vmem>> -> memref<8x512xi32, #tpu.memory_space<vmem>>
    %dma_wait3A_143 = arith.constant 0 : i32
    %dma_wait3A_144 = tpu.memref_slice %arg2[%dma_wait3A_143, %add3A_37] : memref<8x32768xi32, #tpu.memory_space<hbm>> -> memref<8x512xi32, #tpu.memory_space<hbm>>
    %dma_wait3A_145 = tpu.memref_slice %arg10[%dma_wait3A_138] : memref<2x!tpu.dma_semaphore, #tpu.memory_space<semaphore_mem>> -> memref<1x!tpu.dma_semaphore, #tpu.memory_space<semaphore_mem>>
    %dma_wait3A_146 = tpu.memref_squeeze %dma_wait3A_145 : memref<1x!tpu.dma_semaphore, #tpu.memory_space<semaphore_mem>> -> memref<!tpu.dma_semaphore, #tpu.memory_space<semaphore_mem>>
    %dma_wait3A_147 = arith.constant 0 : i32
    %dma_wait3A_148 = arith.constant 0 : i32
    %dma_wait3A_149 = tpu.memref_slice %arg6[%dma_wait3A_137, %dma_wait3A_147, %dma_wait3A_148] : memref<2x8x512xi32, #tpu.memory_space<vmem>> -> memref<1x8x512xi32, #tpu.memory_space<vmem>>
    %dma_wait3A_150 = tpu.memref_squeeze %dma_wait3A_149 : memref<1x8x512xi32, #tpu.memory_space<vmem>> -> memref<8x512xi32, #tpu.memory_space<vmem>>
    %dma_wait3A_151 = arith.constant 0 : i32
    %dma_wait3A_152 = tpu.memref_slice %arg2[%dma_wait3A_151, %add3A_37] : memref<8x32768xi32, #tpu.memory_space<hbm>> -> memref<8x512xi32, #tpu.memory_space<hbm>>
    tpu.wait_dma2 semaphore(%dma_wait3A_146 : memref<!tpu.dma_semaphore, #tpu.memory_space<semaphore_mem>>) src(%dma_wait3A_152 : memref<8x512xi32, #tpu.memory_space<hbm>>) dst(%dma_wait3A_150 : memref<8x512xi32, #tpu.memory_space<vmem>>)
    %dma_wait3A_153 = arith.constant 1 : i32
    %dma_wait3A_154 = arith.constant 1 : i32
    %dma_wait3A_155 = arith.constant 0 : i32
    %dma_wait3A_156 = arith.constant 0 : i32
    %dma_wait3A_157 = tpu.memref_slice %arg7[%dma_wait3A_153, %dma_wait3A_155, %dma_wait3A_156] : memref<2x8x512xf32, #tpu.memory_space<vmem>> -> memref<1x8x512xf32, #tpu.memory_space<vmem>>
    %dma_wait3A_158 = tpu.memref_squeeze %dma_wait3A_157 : memref<1x8x512xf32, #tpu.memory_space<vmem>> -> memref<8x512xf32, #tpu.memory_space<vmem>>
    %dma_wait3A_159 = arith.constant 0 : i32
    %dma_wait3A_160 = tpu.memref_slice %arg3[%dma_wait3A_159, %add3A_37] : memref<8x32768xf32, #tpu.memory_space<hbm>> -> memref<8x512xf32, #tpu.memory_space<hbm>>
    %dma_wait3A_161 = tpu.memref_slice %arg10[%dma_wait3A_154] : memref<2x!tpu.dma_semaphore, #tpu.memory_space<semaphore_mem>> -> memref<1x!tpu.dma_semaphore, #tpu.memory_space<semaphore_mem>>
    %dma_wait3A_162 = tpu.memref_squeeze %dma_wait3A_161 : memref<1x!tpu.dma_semaphore, #tpu.memory_space<semaphore_mem>> -> memref<!tpu.dma_semaphore, #tpu.memory_space<semaphore_mem>>
    %dma_wait3A_163 = arith.constant 0 : i32
    %dma_wait3A_164 = arith.constant 0 : i32
    %dma_wait3A_165 = tpu.memref_slice %arg7[%dma_wait3A_153, %dma_wait3A_163, %dma_wait3A_164] : memref<2x8x512xf32, #tpu.memory_space<vmem>> -> memref<1x8x512xf32, #tpu.memory_space<vmem>>
    %dma_wait3A_166 = tpu.memref_squeeze %dma_wait3A_165 : memref<1x8x512xf32, #tpu.memory_space<vmem>> -> memref<8x512xf32, #tpu.memory_space<vmem>>
    %dma_wait3A_167 = arith.constant 0 : i32
    %dma_wait3A_168 = tpu.memref_slice %arg3[%dma_wait3A_167, %add3A_37] : memref<8x32768xf32, #tpu.memory_space<hbm>> -> memref<8x512xf32, #tpu.memory_space<hbm>>
    tpu.wait_dma2 semaphore(%dma_wait3A_162 : memref<!tpu.dma_semaphore, #tpu.memory_space<semaphore_mem>>) src(%dma_wait3A_168 : memref<8x512xf32, #tpu.memory_space<hbm>>) dst(%dma_wait3A_166 : memref<8x512xf32, #tpu.memory_space<vmem>>)
    %parallel_loop3A_169 = arith.constant 0 : i32
    %parallel_loop3A_170 = arith.constant 32 : i32
    %parallel_loop3A_171 = arith.constant 1 : i32
    scf.for %parallel_loop3A_270 = %parallel_loop3A_169 to %parallel_loop3A_170 step %parallel_loop3A_171  : i32 {
      %parallel_loop3A_271 = arith.constant 16 : i32
      %parallel_loop3A_272 = arith.muli %parallel_loop3A_270, %parallel_loop3A_271 : i32
      %parallel_loop3A_273 = arith.constant 1 : i32
      %parallel_loop3A_274 = arith.constant 0 : i32
      %parallel_loop3A_275 = arith.index_cast %parallel_loop3A_273 : i32 to index
      %parallel_loop3A_276 = arith.index_cast %parallel_loop3A_274 : i32 to index
      %parallel_loop3A_277 = arith.index_cast %parallel_loop3A_272 : i32 to index
      %parallel_loop3A_278 = tpu.vector_load %arg6[%parallel_loop3A_275, %parallel_loop3A_276, %parallel_loop3A_277] {strides = array<i32>} : memref<2x8x512xi32, #tpu.memory_space<vmem>>, vector<1x1x16xi32>,
      %parallel_loop3A_279 = vector.shape_cast %parallel_loop3A_278 : vector<1x1x16xi32> to vector<16xi32>
      %parallel_loop3A_280 = arith.constant 8 : i32
      %parallel_loop3A_281 = vector.broadcast %parallel_loop3A_280 : i32 to vector<16xi32>
      %parallel_loop3A_282 = arith.muli %parallel_loop3A_279, %parallel_loop3A_281 : vector<16xi32>
      %parallel_loop3A_283 = arith.constant 0 : i32
      %parallel_loop3A_284 = vector.broadcast %parallel_loop3A_283 : i32 to vector<16xi32>
      %parallel_loop3A_285 = arith.addi %parallel_loop3A_282, %parallel_loop3A_284 : vector<16xi32>
      %parallel_loop3A_286 = arith.constant 1 : i32
      %parallel_loop3A_287 = arith.constant 1 : i32
      %parallel_loop3A_288 = arith.index_cast %parallel_loop3A_286 : i32 to index
      %parallel_loop3A_289 = arith.index_cast %parallel_loop3A_287 : i32 to index
      %parallel_loop3A_290 = arith.index_cast %parallel_loop3A_272 : i32 to index
      %parallel_loop3A_291 = tpu.vector_load %arg6[%parallel_loop3A_288, %parallel_loop3A_289, %parallel_loop3A_290] {strides = array<i32>} : memref<2x8x512xi32, #tpu.memory_space<vmem>>, vector<1x1x16xi32>,
      %parallel_loop3A_292 = vector.shape_cast %parallel_loop3A_291 : vector<1x1x16xi32> to vector<16xi32>
      %parallel_loop3A_293 = arith.constant 8 : i32
      %parallel_loop3A_294 = vector.broadcast %parallel_loop3A_293 : i32 to vector<16xi32>
      %parallel_loop3A_295 = arith.muli %parallel_loop3A_292, %parallel_loop3A_294 : vector<16xi32>
      %parallel_loop3A_296 = arith.constant 1 : i32
      %parallel_loop3A_297 = vector.broadcast %parallel_loop3A_296 : i32 to vector<16xi32>
      %parallel_loop3A_298 = arith.addi %parallel_loop3A_295, %parallel_loop3A_297 : vector<16xi32>
      %parallel_loop3A_299 = arith.constant 1 : i32
      %parallel_loop3A_300 = arith.constant 2 : i32
      %parallel_loop3A_301 = arith.index_cast %parallel_loop3A_299 : i32 to index
      %parallel_loop3A_302 = arith.index_cast %parallel_loop3A_300 : i32 to index
      %parallel_loop3A_303 = arith.index_cast %parallel_loop3A_272 : i32 to index
      %parallel_loop3A_304 = tpu.vector_load %arg6[%parallel_loop3A_301, %parallel_loop3A_302, %parallel_loop3A_303] {strides = array<i32>} : memref<2x8x512xi32, #tpu.memory_space<vmem>>, vector<1x1x16xi32>,
      %parallel_loop3A_305 = vector.shape_cast %parallel_loop3A_304 : vector<1x1x16xi32> to vector<16xi32>
      %parallel_loop3A_306 = arith.constant 8 : i32
      %parallel_loop3A_307 = vector.broadcast %parallel_loop3A_306 : i32 to vector<16xi32>
      %parallel_loop3A_308 = arith.muli %parallel_loop3A_305, %parallel_loop3A_307 : vector<16xi32>
      %parallel_loop3A_309 = arith.constant 2 : i32
      %parallel_loop3A_310 = vector.broadcast %parallel_loop3A_309 : i32 to vector<16xi32>
      %parallel_loop3A_311 = arith.addi %parallel_loop3A_308, %parallel_loop3A_310 : vector<16xi32>
      %parallel_loop3A_312 = arith.constant 1 : i32
      %parallel_loop3A_313 = arith.constant 3 : i32
      %parallel_loop3A_314 = arith.index_cast %parallel_loop3A_312 : i32 to index
      %parallel_loop3A_315 = arith.index_cast %parallel_loop3A_313 : i32 to index
      %parallel_loop3A_316 = arith.index_cast %parallel_loop3A_272 : i32 to index
      %parallel_loop3A_317 = tpu.vector_load %arg6[%parallel_loop3A_314, %parallel_loop3A_315, %parallel_loop3A_316] {strides = array<i32>} : memref<2x8x512xi32, #tpu.memory_space<vmem>>, vector<1x1x16xi32>,
      %parallel_loop3A_318 = vector.shape_cast %parallel_loop3A_317 : vector<1x1x16xi32> to vector<16xi32>
      %parallel_loop3A_319 = arith.constant 8 : i32
      %parallel_loop3A_320 = vector.broadcast %parallel_loop3A_319 : i32 to vector<16xi32>
      %parallel_loop3A_321 = arith.muli %parallel_loop3A_318, %parallel_loop3A_320 : vector<16xi32>
      %parallel_loop3A_322 = arith.constant 3 : i32
      %parallel_loop3A_323 = vector.broadcast %parallel_loop3A_322 : i32 to vector<16xi32>
      %parallel_loop3A_324 = arith.addi %parallel_loop3A_321, %parallel_loop3A_323 : vector<16xi32>
      %parallel_loop3A_325 = arith.constant 1 : i32
      %parallel_loop3A_326 = arith.constant 4 : i32
      %parallel_loop3A_327 = arith.index_cast %parallel_loop3A_325 : i32 to index
      %parallel_loop3A_328 = arith.index_cast %parallel_loop3A_326 : i32 to index
      %parallel_loop3A_329 = arith.index_cast %parallel_loop3A_272 : i32 to index
      %parallel_loop3A_330 = tpu.vector_load %arg6[%parallel_loop3A_327, %parallel_loop3A_328, %parallel_loop3A_329] {strides = array<i32>} : memref<2x8x512xi32, #tpu.memory_space<vmem>>, vector<1x1x16xi32>,
      %parallel_loop3A_331 = vector.shape_cast %parallel_loop3A_330 : vector<1x1x16xi32> to vector<16xi32>
      %parallel_loop3A_332 = arith.constant 8 : i32
      %parallel_loop3A_333 = vector.broadcast %parallel_loop3A_332 : i32 to vector<16xi32>
      %parallel_loop3A_334 = arith.muli %parallel_loop3A_331, %parallel_loop3A_333 : vector<16xi32>
      %parallel_loop3A_335 = arith.constant 4 : i32
      %parallel_loop3A_336 = vector.broadcast %parallel_loop3A_335 : i32 to vector<16xi32>
      %parallel_loop3A_337 = arith.addi %parallel_loop3A_334, %parallel_loop3A_336 : vector<16xi32>
      %parallel_loop3A_338 = arith.constant 1 : i32
      %parallel_loop3A_339 = arith.constant 5 : i32
      %parallel_loop3A_340 = arith.index_cast %parallel_loop3A_338 : i32 to index
      %parallel_loop3A_341 = arith.index_cast %parallel_loop3A_339 : i32 to index
      %parallel_loop3A_342 = arith.index_cast %parallel_loop3A_272 : i32 to index
      %parallel_loop3A_343 = tpu.vector_load %arg6[%parallel_loop3A_340, %parallel_loop3A_341, %parallel_loop3A_342] {strides = array<i32>} : memref<2x8x512xi32, #tpu.memory_space<vmem>>, vector<1x1x16xi32>,
      %parallel_loop3A_344 = vector.shape_cast %parallel_loop3A_343 : vector<1x1x16xi32> to vector<16xi32>
      %parallel_loop3A_345 = arith.constant 8 : i32
      %parallel_loop3A_346 = vector.broadcast %parallel_loop3A_345 : i32 to vector<16xi32>
      %parallel_loop3A_347 = arith.muli %parallel_loop3A_344, %parallel_loop3A_346 : vector<16xi32>
      %parallel_loop3A_348 = arith.constant 5 : i32
      %parallel_loop3A_349 = vector.broadcast %parallel_loop3A_348 : i32 to vector<16xi32>
      %parallel_loop3A_350 = arith.addi %parallel_loop3A_347, %parallel_loop3A_349 : vector<16xi32>
      %parallel_loop3A_351 = arith.constant 1 : i32
      %parallel_loop3A_352 = arith.constant 6 : i32
      %parallel_loop3A_353 = arith.index_cast %parallel_loop3A_351 : i32 to index
      %parallel_loop3A_354 = arith.index_cast %parallel_loop3A_352 : i32 to index
      %parallel_loop3A_355 = arith.index_cast %parallel_loop3A_272 : i32 to index
      %parallel_loop3A_356 = tpu.vector_load %arg6[%parallel_loop3A_353, %parallel_loop3A_354, %parallel_loop3A_355] {strides = array<i32>} : memref<2x8x512xi32, #tpu.memory_space<vmem>>, vector<1x1x16xi32>,
      %parallel_loop3A_357 = vector.shape_cast %parallel_loop3A_356 : vector<1x1x16xi32> to vector<16xi32>
      %parallel_loop3A_358 = arith.constant 8 : i32
      %parallel_loop3A_359 = vector.broadcast %parallel_loop3A_358 : i32 to vector<16xi32>
      %parallel_loop3A_360 = arith.muli %parallel_loop3A_357, %parallel_loop3A_359 : vector<16xi32>
      %parallel_loop3A_361 = arith.constant 6 : i32
      %parallel_loop3A_362 = vector.broadcast %parallel_loop3A_361 : i32 to vector<16xi32>
      %parallel_loop3A_363 = arith.addi %parallel_loop3A_360, %parallel_loop3A_362 : vector<16xi32>
      %parallel_loop3A_364 = arith.constant 1 : i32
      %parallel_loop3A_365 = arith.constant 7 : i32
      %parallel_loop3A_366 = arith.index_cast %parallel_loop3A_364 : i32 to index
      %parallel_loop3A_367 = arith.index_cast %parallel_loop3A_365 : i32 to index
      %parallel_loop3A_368 = arith.index_cast %parallel_loop3A_272 : i32 to index
      %parallel_loop3A_369 = tpu.vector_load %arg6[%parallel_loop3A_366, %parallel_loop3A_367, %parallel_loop3A_368] {strides = array<i32>} : memref<2x8x512xi32, #tpu.memory_space<vmem>>, vector<1x1x16xi32>,
      %parallel_loop3A_370 = vector.shape_cast %parallel_loop3A_369 : vector<1x1x16xi32> to vector<16xi32>
      %parallel_loop3A_371 = arith.constant 8 : i32
      %parallel_loop3A_372 = vector.broadcast %parallel_loop3A_371 : i32 to vector<16xi32>
      %parallel_loop3A_373 = arith.muli %parallel_loop3A_370, %parallel_loop3A_372 : vector<16xi32>
      %parallel_loop3A_374 = arith.constant 7 : i32
      %parallel_loop3A_375 = vector.broadcast %parallel_loop3A_374 : i32 to vector<16xi32>
      %parallel_loop3A_376 = arith.addi %parallel_loop3A_373, %parallel_loop3A_375 : vector<16xi32>
      %parallel_loop3A_377 = arith.constant 1 : i32
      %parallel_loop3A_378 = arith.constant 0 : i32
      %parallel_loop3A_379 = arith.index_cast %parallel_loop3A_377 : i32 to index
      %parallel_loop3A_380 = arith.index_cast %parallel_loop3A_378 : i32 to index
      %parallel_loop3A_381 = arith.index_cast %parallel_loop3A_272 : i32 to index
      %parallel_loop3A_382 = tpu.vector_load %arg7[%parallel_loop3A_379, %parallel_loop3A_380, %parallel_loop3A_381] {strides = array<i32>} : memref<2x8x512xf32, #tpu.memory_space<vmem>>, vector<1x1x16xf32>,
      %parallel_loop3A_383 = vector.shape_cast %parallel_loop3A_382 : vector<1x1x16xf32> to vector<16xf32>
      %parallel_loop3A_384 = arith.constant 1 : i32
      %parallel_loop3A_385 = arith.constant 1 : i32
      %parallel_loop3A_386 = arith.index_cast %parallel_loop3A_384 : i32 to index
      %parallel_loop3A_387 = arith.index_cast %parallel_loop3A_385 : i32 to index
      %parallel_loop3A_388 = arith.index_cast %parallel_loop3A_272 : i32 to index
      %parallel_loop3A_389 = tpu.vector_load %arg7[%parallel_loop3A_386, %parallel_loop3A_387, %parallel_loop3A_388] {strides = array<i32>} : memref<2x8x512xf32, #tpu.memory_space<vmem>>, vector<1x1x16xf32>,
      %parallel_loop3A_390 = vector.shape_cast %parallel_loop3A_389 : vector<1x1x16xf32> to vector<16xf32>
      %parallel_loop3A_391 = arith.constant 1 : i32
      %parallel_loop3A_392 = arith.constant 2 : i32
      %parallel_loop3A_393 = arith.index_cast %parallel_loop3A_391 : i32 to index
      %parallel_loop3A_394 = arith.index_cast %parallel_loop3A_392 : i32 to index
      %parallel_loop3A_395 = arith.index_cast %parallel_loop3A_272 : i32 to index
      %parallel_loop3A_396 = tpu.vector_load %arg7[%parallel_loop3A_393, %parallel_loop3A_394, %parallel_loop3A_395] {strides = array<i32>} : memref<2x8x512xf32, #tpu.memory_space<vmem>>, vector<1x1x16xf32>,
      %parallel_loop3A_397 = vector.shape_cast %parallel_loop3A_396 : vector<1x1x16xf32> to vector<16xf32>
      %parallel_loop3A_398 = arith.constant 1 : i32
      %parallel_loop3A_399 = arith.constant 3 : i32
      %parallel_loop3A_400 = arith.index_cast %parallel_loop3A_398 : i32 to index
      %parallel_loop3A_401 = arith.index_cast %parallel_loop3A_399 : i32 to index
      %parallel_loop3A_402 = arith.index_cast %parallel_loop3A_272 : i32 to index
      %parallel_loop3A_403 = tpu.vector_load %arg7[%parallel_loop3A_400, %parallel_loop3A_401, %parallel_loop3A_402] {strides = array<i32>} : memref<2x8x512xf32, #tpu.memory_space<vmem>>, vector<1x1x16xf32>,
      %parallel_loop3A_404 = vector.shape_cast %parallel_loop3A_403 : vector<1x1x16xf32> to vector<16xf32>
      %parallel_loop3A_405 = arith.constant 1 : i32
      %parallel_loop3A_406 = arith.constant 4 : i32
      %parallel_loop3A_407 = arith.index_cast %parallel_loop3A_405 : i32 to index
      %parallel_loop3A_408 = arith.index_cast %parallel_loop3A_406 : i32 to index
      %parallel_loop3A_409 = arith.index_cast %parallel_loop3A_272 : i32 to index
      %parallel_loop3A_410 = tpu.vector_load %arg7[%parallel_loop3A_407, %parallel_loop3A_408, %parallel_loop3A_409] {strides = array<i32>} : memref<2x8x512xf32, #tpu.memory_space<vmem>>, vector<1x1x16xf32>,
      %parallel_loop3A_411 = vector.shape_cast %parallel_loop3A_410 : vector<1x1x16xf32> to vector<16xf32>
      %parallel_loop3A_412 = arith.constant 1 : i32
      %parallel_loop3A_413 = arith.constant 5 : i32
      %parallel_loop3A_414 = arith.index_cast %parallel_loop3A_412 : i32 to index
      %parallel_loop3A_415 = arith.index_cast %parallel_loop3A_413 : i32 to index
      %parallel_loop3A_416 = arith.index_cast %parallel_loop3A_272 : i32 to index
      %parallel_loop3A_417 = tpu.vector_load %arg7[%parallel_loop3A_414, %parallel_loop3A_415, %parallel_loop3A_416] {strides = array<i32>} : memref<2x8x512xf32, #tpu.memory_space<vmem>>, vector<1x1x16xf32>,
      %parallel_loop3A_418 = vector.shape_cast %parallel_loop3A_417 : vector<1x1x16xf32> to vector<16xf32>
      %parallel_loop3A_419 = arith.constant 1 : i32
      %parallel_loop3A_420 = arith.constant 6 : i32
      %parallel_loop3A_421 = arith.index_cast %parallel_loop3A_419 : i32 to index
      %parallel_loop3A_422 = arith.index_cast %parallel_loop3A_420 : i32 to index
      %parallel_loop3A_423 = arith.index_cast %parallel_loop3A_272 : i32 to index
      %parallel_loop3A_424 = tpu.vector_load %arg7[%parallel_loop3A_421, %parallel_loop3A_422, %parallel_loop3A_423] {strides = array<i32>} : memref<2x8x512xf32, #tpu.memory_space<vmem>>, vector<1x1x16xf32>,
      %parallel_loop3A_425 = vector.shape_cast %parallel_loop3A_424 : vector<1x1x16xf32> to vector<16xf32>
      %parallel_loop3A_426 = arith.constant 1 : i32
      %parallel_loop3A_427 = arith.constant 7 : i32
      %parallel_loop3A_428 = arith.index_cast %parallel_loop3A_426 : i32 to index
      %parallel_loop3A_429 = arith.index_cast %parallel_loop3A_427 : i32 to index
      %parallel_loop3A_430 = arith.index_cast %parallel_loop3A_272 : i32 to index
      %parallel_loop3A_431 = tpu.vector_load %arg7[%parallel_loop3A_428, %parallel_loop3A_429, %parallel_loop3A_430] {strides = array<i32>} : memref<2x8x512xf32, #tpu.memory_space<vmem>>, vector<1x1x16xf32>,
      %parallel_loop3A_432 = vector.shape_cast %parallel_loop3A_431 : vector<1x1x16xf32> to vector<16xf32>
      %parallel_loop3A_433 = arith.cmpi slt, %parallel_loop3A_285, %parallel_loop3A_298 : vector<16xi32>
      %parallel_loop3A_434 = arith.minsi %parallel_loop3A_285, %parallel_loop3A_298 : vector<16xi32>
      %parallel_loop3A_435 = arith.maxsi %parallel_loop3A_285, %parallel_loop3A_298 : vector<16xi32>
      %parallel_loop3A_436 = arith.select %parallel_loop3A_433, %parallel_loop3A_383, %parallel_loop3A_390 : vector<16xi1>, vector<16xf32>
      %parallel_loop3A_437 = arith.select %parallel_loop3A_433, %parallel_loop3A_390, %parallel_loop3A_383 : vector<16xi1>, vector<16xf32>
      %parallel_loop3A_438 = arith.cmpi slt, %parallel_loop3A_311, %parallel_loop3A_324 : vector<16xi32>
      %parallel_loop3A_439 = arith.minsi %parallel_loop3A_311, %parallel_loop3A_324 : vector<16xi32>
      %parallel_loop3A_440 = arith.maxsi %parallel_loop3A_311, %parallel_loop3A_324 : vector<16xi32>
      %parallel_loop3A_441 = arith.select %parallel_loop3A_438, %parallel_loop3A_397, %parallel_loop3A_404 : vector<16xi1>, vector<16xf32>
      %parallel_loop3A_442 = arith.select %parallel_loop3A_438, %parallel_loop3A_404, %parallel_loop3A_397 : vector<16xi1>, vector<16xf32>
      %parallel_loop3A_443 = arith.cmpi slt, %parallel_loop3A_434, %parallel_loop3A_439 : vector<16xi32>
      %parallel_loop3A_444 = arith.minsi %parallel_loop3A_434, %parallel_loop3A_439 : vector<16xi32>
      %parallel_loop3A_445 = arith.maxsi %parallel_loop3A_434, %parallel_loop3A_439 : vector<16xi32>
      %parallel_loop3A_446 = arith.select %parallel_loop3A_443, %parallel_loop3A_436, %parallel_loop3A_441 : vector<16xi1>, vector<16xf32>
      %parallel_loop3A_447 = arith.select %parallel_loop3A_443, %parallel_loop3A_441, %parallel_loop3A_436 : vector<16xi1>, vector<16xf32>
      %parallel_loop3A_448 = arith.cmpi slt, %parallel_loop3A_435, %parallel_loop3A_440 : vector<16xi32>
      %parallel_loop3A_449 = arith.minsi %parallel_loop3A_435, %parallel_loop3A_440 : vector<16xi32>
      %parallel_loop3A_450 = arith.maxsi %parallel_loop3A_435, %parallel_loop3A_440 : vector<16xi32>
      %parallel_loop3A_451 = arith.select %parallel_loop3A_448, %parallel_loop3A_437, %parallel_loop3A_442 : vector<16xi1>, vector<16xf32>
      %parallel_loop3A_452 = arith.select %parallel_loop3A_448, %parallel_loop3A_442, %parallel_loop3A_437 : vector<16xi1>, vector<16xf32>
      %parallel_loop3A_453 = arith.cmpi slt, %parallel_loop3A_449, %parallel_loop3A_445 : vector<16xi32>
      %parallel_loop3A_454 = arith.minsi %parallel_loop3A_449, %parallel_loop3A_445 : vector<16xi32>
      %parallel_loop3A_455 = arith.maxsi %parallel_loop3A_449, %parallel_loop3A_445 : vector<16xi32>
      %parallel_loop3A_456 = arith.select %parallel_loop3A_453, %parallel_loop3A_451, %parallel_loop3A_447 : vector<16xi1>, vector<16xf32>
      %parallel_loop3A_457 = arith.select %parallel_loop3A_453, %parallel_loop3A_447, %parallel_loop3A_451 : vector<16xi1>, vector<16xf32>
      %parallel_loop3A_458 = arith.cmpi slt, %parallel_loop3A_337, %parallel_loop3A_350 : vector<16xi32>
      %parallel_loop3A_459 = arith.minsi %parallel_loop3A_337, %parallel_loop3A_350 : vector<16xi32>
      %parallel_loop3A_460 = arith.maxsi %parallel_loop3A_337, %parallel_loop3A_350 : vector<16xi32>
      %parallel_loop3A_461 = arith.select %parallel_loop3A_458, %parallel_loop3A_411, %parallel_loop3A_418 : vector<16xi1>, vector<16xf32>
      %parallel_loop3A_462 = arith.select %parallel_loop3A_458, %parallel_loop3A_418, %parallel_loop3A_411 : vector<16xi1>, vector<16xf32>
      %parallel_loop3A_463 = arith.cmpi slt, %parallel_loop3A_363, %parallel_loop3A_376 : vector<16xi32>
      %parallel_loop3A_464 = arith.minsi %parallel_loop3A_363, %parallel_loop3A_376 : vector<16xi32>
      %parallel_loop3A_465 = arith.maxsi %parallel_loop3A_363, %parallel_loop3A_376 : vector<16xi32>
      %parallel_loop3A_466 = arith.select %parallel_loop3A_463, %parallel_loop3A_425, %parallel_loop3A_432 : vector<16xi1>, vector<16xf32>
      %parallel_loop3A_467 = arith.select %parallel_loop3A_463, %parallel_loop3A_432, %parallel_loop3A_425 : vector<16xi1>, vector<16xf32>
      %parallel_loop3A_468 = arith.cmpi slt, %parallel_loop3A_459, %parallel_loop3A_464 : vector<16xi32>
      %parallel_loop3A_469 = arith.minsi %parallel_loop3A_459, %parallel_loop3A_464 : vector<16xi32>
      %parallel_loop3A_470 = arith.maxsi %parallel_loop3A_459, %parallel_loop3A_464 : vector<16xi32>
      %parallel_loop3A_471 = arith.select %parallel_loop3A_468, %parallel_loop3A_461, %parallel_loop3A_466 : vector<16xi1>, vector<16xf32>
      %parallel_loop3A_472 = arith.select %parallel_loop3A_468, %parallel_loop3A_466, %parallel_loop3A_461 : vector<16xi1>, vector<16xf32>
      %parallel_loop3A_473 = arith.cmpi slt, %parallel_loop3A_460, %parallel_loop3A_465 : vector<16xi32>
      %parallel_loop3A_474 = arith.minsi %parallel_loop3A_460, %parallel_loop3A_465 : vector<16xi32>
      %parallel_loop3A_475 = arith.maxsi %parallel_loop3A_460, %parallel_loop3A_465 : vector<16xi32>
      %parallel_loop3A_476 = arith.select %parallel_loop3A_473, %parallel_loop3A_462, %parallel_loop3A_467 : vector<16xi1>, vector<16xf32>
      %parallel_loop3A_477 = arith.select %parallel_loop3A_473, %parallel_loop3A_467, %parallel_loop3A_462 : vector<16xi1>, vector<16xf32>
      %parallel_loop3A_478 = arith.cmpi slt, %parallel_loop3A_474, %parallel_loop3A_470 : vector<16xi32>
      %parallel_loop3A_479 = arith.minsi %parallel_loop3A_474, %parallel_loop3A_470 : vector<16xi32>
      %parallel_loop3A_480 = arith.maxsi %parallel_loop3A_474, %parallel_loop3A_470 : vector<16xi32>
      %parallel_loop3A_481 = arith.select %parallel_loop3A_478, %parallel_loop3A_476, %parallel_loop3A_472 : vector<16xi1>, vector<16xf32>
      %parallel_loop3A_482 = arith.select %parallel_loop3A_478, %parallel_loop3A_472, %parallel_loop3A_476 : vector<16xi1>, vector<16xf32>
      %parallel_loop3A_483 = arith.cmpi slt, %parallel_loop3A_444, %parallel_loop3A_469 : vector<16xi32>
      %parallel_loop3A_484 = arith.minsi %parallel_loop3A_444, %parallel_loop3A_469 : vector<16xi32>
      %parallel_loop3A_485 = arith.maxsi %parallel_loop3A_444, %parallel_loop3A_469 : vector<16xi32>
      %parallel_loop3A_486 = arith.select %parallel_loop3A_483, %parallel_loop3A_446, %parallel_loop3A_471 : vector<16xi1>, vector<16xf32>
      %parallel_loop3A_487 = arith.select %parallel_loop3A_483, %parallel_loop3A_471, %parallel_loop3A_446 : vector<16xi1>, vector<16xf32>
      %parallel_loop3A_488 = arith.cmpi slt, %parallel_loop3A_454, %parallel_loop3A_479 : vector<16xi32>
      %parallel_loop3A_489 = arith.minsi %parallel_loop3A_454, %parallel_loop3A_479 : vector<16xi32>
      %parallel_loop3A_490 = arith.maxsi %parallel_loop3A_454, %parallel_loop3A_479 : vector<16xi32>
      %parallel_loop3A_491 = arith.select %parallel_loop3A_488, %parallel_loop3A_456, %parallel_loop3A_481 : vector<16xi1>, vector<16xf32>
      %parallel_loop3A_492 = arith.select %parallel_loop3A_488, %parallel_loop3A_481, %parallel_loop3A_456 : vector<16xi1>, vector<16xf32>
      %parallel_loop3A_493 = arith.cmpi slt, %parallel_loop3A_455, %parallel_loop3A_480 : vector<16xi32>
      %parallel_loop3A_494 = arith.minsi %parallel_loop3A_455, %parallel_loop3A_480 : vector<16xi32>
      %parallel_loop3A_495 = arith.maxsi %parallel_loop3A_455, %parallel_loop3A_480 : vector<16xi32>
      %parallel_loop3A_496 = arith.select %parallel_loop3A_493, %parallel_loop3A_457, %parallel_loop3A_482 : vector<16xi1>, vector<16xf32>
      %parallel_loop3A_497 = arith.select %parallel_loop3A_493, %parallel_loop3A_482, %parallel_loop3A_457 : vector<16xi1>, vector<16xf32>
      %parallel_loop3A_498 = arith.cmpi slt, %parallel_loop3A_450, %parallel_loop3A_475 : vector<16xi32>
      %parallel_loop3A_499 = arith.minsi %parallel_loop3A_450, %parallel_loop3A_475 : vector<16xi32>
      %parallel_loop3A_500 = arith.maxsi %parallel_loop3A_450, %parallel_loop3A_475 : vector<16xi32>
      %parallel_loop3A_501 = arith.select %parallel_loop3A_498, %parallel_loop3A_452, %parallel_loop3A_477 : vector<16xi1>, vector<16xf32>
      %parallel_loop3A_502 = arith.select %parallel_loop3A_498, %parallel_loop3A_477, %parallel_loop3A_452 : vector<16xi1>, vector<16xf32>
      %parallel_loop3A_503 = arith.cmpi slt, %parallel_loop3A_494, %parallel_loop3A_485 : vector<16xi32>
      %parallel_loop3A_504 = arith.minsi %parallel_loop3A_494, %parallel_loop3A_485 : vector<16xi32>
      %parallel_loop3A_505 = arith.maxsi %parallel_loop3A_494, %parallel_loop3A_485 : vector<16xi32>
      %parallel_loop3A_506 = arith.select %parallel_loop3A_503, %parallel_loop3A_496, %parallel_loop3A_487 : vector<16xi1>, vector<16xf32>
      %parallel_loop3A_507 = arith.select %parallel_loop3A_503, %parallel_loop3A_487, %parallel_loop3A_496 : vector<16xi1>, vector<16xf32>
      %parallel_loop3A_508 = arith.cmpi slt, %parallel_loop3A_499, %parallel_loop3A_490 : vector<16xi32>
      %parallel_loop3A_509 = arith.minsi %parallel_loop3A_499, %parallel_loop3A_490 : vector<16xi32>
      %parallel_loop3A_510 = arith.maxsi %parallel_loop3A_499, %parallel_loop3A_490 : vector<16xi32>
      %parallel_loop3A_511 = arith.select %parallel_loop3A_508, %parallel_loop3A_501, %parallel_loop3A_492 : vector<16xi1>, vector<16xf32>
      %parallel_loop3A_512 = arith.select %parallel_loop3A_508, %parallel_loop3A_492, %parallel_loop3A_501 : vector<16xi1>, vector<16xf32>
      %parallel_loop3A_513 = arith.cmpi slt, %parallel_loop3A_489, %parallel_loop3A_504 : vector<16xi32>
      %parallel_loop3A_514 = arith.minsi %parallel_loop3A_489, %parallel_loop3A_504 : vector<16xi32>
      %parallel_loop3A_515 = arith.maxsi %parallel_loop3A_489, %parallel_loop3A_504 : vector<16xi32>
      %parallel_loop3A_516 = arith.select %parallel_loop3A_513, %parallel_loop3A_491, %parallel_loop3A_506 : vector<16xi1>, vector<16xf32>
      %parallel_loop3A_517 = arith.select %parallel_loop3A_513, %parallel_loop3A_506, %parallel_loop3A_491 : vector<16xi1>, vector<16xf32>
      %parallel_loop3A_518 = arith.cmpi slt, %parallel_loop3A_509, %parallel_loop3A_505 : vector<16xi32>
      %parallel_loop3A_519 = arith.minsi %parallel_loop3A_509, %parallel_loop3A_505 : vector<16xi32>
      %parallel_loop3A_520 = arith.maxsi %parallel_loop3A_509, %parallel_loop3A_505 : vector<16xi32>
      %parallel_loop3A_521 = arith.select %parallel_loop3A_518, %parallel_loop3A_511, %parallel_loop3A_507 : vector<16xi1>, vector<16xf32>
      %parallel_loop3A_522 = arith.select %parallel_loop3A_518, %parallel_loop3A_507, %parallel_loop3A_511 : vector<16xi1>, vector<16xf32>
      %parallel_loop3A_523 = arith.cmpi slt, %parallel_loop3A_510, %parallel_loop3A_495 : vector<16xi32>
      %parallel_loop3A_524 = arith.minsi %parallel_loop3A_510, %parallel_loop3A_495 : vector<16xi32>
      %parallel_loop3A_525 = arith.maxsi %parallel_loop3A_510, %parallel_loop3A_495 : vector<16xi32>
      %parallel_loop3A_526 = arith.select %parallel_loop3A_523, %parallel_loop3A_512, %parallel_loop3A_497 : vector<16xi1>, vector<16xf32>
      %parallel_loop3A_527 = arith.select %parallel_loop3A_523, %parallel_loop3A_497, %parallel_loop3A_512 : vector<16xi1>, vector<16xf32>
      %parallel_loop3A_528 = arith.constant 1 : i32
      %parallel_loop3A_529 = arith.constant 0 : i32
      %parallel_loop3A_530 = arith.index_cast %parallel_loop3A_528 : i32 to index
      %parallel_loop3A_531 = arith.index_cast %parallel_loop3A_529 : i32 to index
      %parallel_loop3A_532 = arith.index_cast %parallel_loop3A_272 : i32 to index
      %parallel_loop3A_533 = tpu.vector_load %arg8[%parallel_loop3A_530, %parallel_loop3A_531, %parallel_loop3A_532] {strides = array<i32>} : memref<2x8x512xf32, #tpu.memory_space<vmem>>, vector<1x1x16xf32>,
      %parallel_loop3A_534 = vector.shape_cast %parallel_loop3A_533 : vector<1x1x16xf32> to vector<16xf32>
      %parallel_loop3A_535 = vector.shape_cast %parallel_loop3A_486 : vector<16xf32> to vector<1x1x16xf32>
      tpu.vector_store %arg8[%parallel_loop3A_530, %parallel_loop3A_531, %parallel_loop3A_532], %parallel_loop3A_535 {strides = array<i32>} : memref<2x8x512xf32, #tpu.memory_space<vmem>>, vector<1x1x16xf32>,
      %parallel_loop3A_536 = arith.constant 7 : i32
      %parallel_loop3A_537 = vector.broadcast %parallel_loop3A_536 : i32 to vector<16xi32>
      %parallel_loop3A_538 = arith.andi %parallel_loop3A_484, %parallel_loop3A_537 : vector<16xi32>
      %parallel_loop3A_539 = arith.constant 3 : i32
      %parallel_loop3A_540 = vector.broadcast %parallel_loop3A_539 : i32 to vector<16xi32>
      %parallel_loop3A_541 = arith.shrsi %parallel_loop3A_538, %parallel_loop3A_540 : vector<16xi32>
      %parallel_loop3A_542 = arith.constant 1 : i32
      %parallel_loop3A_543 = arith.constant 0 : i32
      %parallel_loop3A_544 = arith.index_cast %parallel_loop3A_542 : i32 to index
      %parallel_loop3A_545 = arith.index_cast %parallel_loop3A_543 : i32 to index
      %parallel_loop3A_546 = arith.index_cast %parallel_loop3A_272 : i32 to index
      %parallel_loop3A_547 = tpu.vector_load %arg9[%parallel_loop3A_544, %parallel_loop3A_545, %parallel_loop3A_546] {strides = array<i32>} : memref<2x8x512xi32, #tpu.memory_space<vmem>>, vector<1x1x16xi32>,
      %parallel_loop3A_548 = vector.shape_cast %parallel_loop3A_547 : vector<1x1x16xi32> to vector<16xi32>
      %parallel_loop3A_549 = vector.shape_cast %parallel_loop3A_541 : vector<16xi32> to vector<1x1x16xi32>
      tpu.vector_store %arg9[%parallel_loop3A_544, %parallel_loop3A_545, %parallel_loop3A_546], %parallel_loop3A_549 {strides = array<i32>} : memref<2x8x512xi32, #tpu.memory_space<vmem>>, vector<1x1x16xi32>,
      %parallel_loop3A_550 = arith.constant 1 : i32
      %parallel_loop3A_551 = arith.constant 1 : i32
      %parallel_loop3A_552 = arith.index_cast %parallel_loop3A_550 : i32 to index
      %parallel_loop3A_553 = arith.index_cast %parallel_loop3A_551 : i32 to index
      %parallel_loop3A_554 = arith.index_cast %parallel_loop3A_272 : i32 to index
      %parallel_loop3A_555 = tpu.vector_load %arg8[%parallel_loop3A_552, %parallel_loop3A_553, %parallel_loop3A_554] {strides = array<i32>} : memref<2x8x512xf32, #tpu.memory_space<vmem>>, vector<1x1x16xf32>,
      %parallel_loop3A_556 = vector.shape_cast %parallel_loop3A_555 : vector<1x1x16xf32> to vector<16xf32>
      %parallel_loop3A_557 = vector.shape_cast %parallel_loop3A_516 : vector<16xf32> to vector<1x1x16xf32>
      tpu.vector_store %arg8[%parallel_loop3A_552, %parallel_loop3A_553, %parallel_loop3A_554], %parallel_loop3A_557 {strides = array<i32>} : memref<2x8x512xf32, #tpu.memory_space<vmem>>, vector<1x1x16xf32>,
      %parallel_loop3A_558 = arith.constant 7 : i32
      %parallel_loop3A_559 = vector.broadcast %parallel_loop3A_558 : i32 to vector<16xi32>
      %parallel_loop3A_560 = arith.andi %parallel_loop3A_514, %parallel_loop3A_559 : vector<16xi32>
      %parallel_loop3A_561 = arith.constant 3 : i32
      %parallel_loop3A_562 = vector.broadcast %parallel_loop3A_561 : i32 to vector<16xi32>
      %parallel_loop3A_563 = arith.shrsi %parallel_loop3A_560, %parallel_loop3A_562 : vector<16xi32>
      %parallel_loop3A_564 = arith.constant 1 : i32
      %parallel_loop3A_565 = arith.constant 1 : i32
      %parallel_loop3A_566 = arith.index_cast %parallel_loop3A_564 : i32 to index
      %parallel_loop3A_567 = arith.index_cast %parallel_loop3A_565 : i32 to index
      %parallel_loop3A_568 = arith.index_cast %parallel_loop3A_272 : i32 to index
      %parallel_loop3A_569 = tpu.vector_load %arg9[%parallel_loop3A_566, %parallel_loop3A_567, %parallel_loop3A_568] {strides = array<i32>} : memref<2x8x512xi32, #tpu.memory_space<vmem>>, vector<1x1x16xi32>,
      %parallel_loop3A_570 = vector.shape_cast %parallel_loop3A_569 : vector<1x1x16xi32> to vector<16xi32>
      %parallel_loop3A_571 = vector.shape_cast %parallel_loop3A_563 : vector<16xi32> to vector<1x1x16xi32>
      tpu.vector_store %arg9[%parallel_loop3A_566, %parallel_loop3A_567, %parallel_loop3A_568], %parallel_loop3A_571 {strides = array<i32>} : memref<2x8x512xi32, #tpu.memory_space<vmem>>, vector<1x1x16xi32>,
      %parallel_loop3A_572 = arith.constant 1 : i32
      %parallel_loop3A_573 = arith.constant 2 : i32
      %parallel_loop3A_574 = arith.index_cast %parallel_loop3A_572 : i32 to index
      %parallel_loop3A_575 = arith.index_cast %parallel_loop3A_573 : i32 to index
      %parallel_loop3A_576 = arith.index_cast %parallel_loop3A_272 : i32 to index
      %parallel_loop3A_577 = tpu.vector_load %arg8[%parallel_loop3A_574, %parallel_loop3A_575, %parallel_loop3A_576] {strides = array<i32>} : memref<2x8x512xf32, #tpu.memory_space<vmem>>, vector<1x1x16xf32>,
      %parallel_loop3A_578 = vector.shape_cast %parallel_loop3A_577 : vector<1x1x16xf32> to vector<16xf32>
      %parallel_loop3A_579 = vector.shape_cast %parallel_loop3A_517 : vector<16xf32> to vector<1x1x16xf32>
      tpu.vector_store %arg8[%parallel_loop3A_574, %parallel_loop3A_575, %parallel_loop3A_576], %parallel_loop3A_579 {strides = array<i32>} : memref<2x8x512xf32, #tpu.memory_space<vmem>>, vector<1x1x16xf32>,
      %parallel_loop3A_580 = arith.constant 7 : i32
      %parallel_loop3A_581 = vector.broadcast %parallel_loop3A_580 : i32 to vector<16xi32>
      %parallel_loop3A_582 = arith.andi %parallel_loop3A_515, %parallel_loop3A_581 : vector<16xi32>
      %parallel_loop3A_583 = arith.constant 3 : i32
      %parallel_loop3A_584 = vector.broadcast %parallel_loop3A_583 : i32 to vector<16xi32>
      %parallel_loop3A_585 = arith.shrsi %parallel_loop3A_582, %parallel_loop3A_584 : vector<16xi32>
      %parallel_loop3A_586 = arith.constant 1 : i32
      %parallel_loop3A_587 = arith.constant 2 : i32
      %parallel_loop3A_588 = arith.index_cast %parallel_loop3A_586 : i32 to index
      %parallel_loop3A_589 = arith.index_cast %parallel_loop3A_587 : i32 to index
      %parallel_loop3A_590 = arith.index_cast %parallel_loop3A_272 : i32 to index
      %parallel_loop3A_591 = tpu.vector_load %arg9[%parallel_loop3A_588, %parallel_loop3A_589, %parallel_loop3A_590] {strides = array<i32>} : memref<2x8x512xi32, #tpu.memory_space<vmem>>, vector<1x1x16xi32>,
      %parallel_loop3A_592 = vector.shape_cast %parallel_loop3A_591 : vector<1x1x16xi32> to vector<16xi32>
      %parallel_loop3A_593 = vector.shape_cast %parallel_loop3A_585 : vector<16xi32> to vector<1x1x16xi32>
      tpu.vector_store %arg9[%parallel_loop3A_588, %parallel_loop3A_589, %parallel_loop3A_590], %parallel_loop3A_593 {strides = array<i32>} : memref<2x8x512xi32, #tpu.memory_space<vmem>>, vector<1x1x16xi32>,
      %parallel_loop3A_594 = arith.constant 1 : i32
      %parallel_loop3A_595 = arith.constant 3 : i32
      %parallel_loop3A_596 = arith.index_cast %parallel_loop3A_594 : i32 to index
      %parallel_loop3A_597 = arith.index_cast %parallel_loop3A_595 : i32 to index
      %parallel_loop3A_598 = arith.index_cast %parallel_loop3A_272 : i32 to index
      %parallel_loop3A_599 = tpu.vector_load %arg8[%parallel_loop3A_596, %parallel_loop3A_597, %parallel_loop3A_598] {strides = array<i32>} : memref<2x8x512xf32, #tpu.memory_space<vmem>>, vector<1x1x16xf32>,
      %parallel_loop3A_600 = vector.shape_cast %parallel_loop3A_599 : vector<1x1x16xf32> to vector<16xf32>
      %parallel_loop3A_601 = vector.shape_cast %parallel_loop3A_521 : vector<16xf32> to vector<1x1x16xf32>
      tpu.vector_store %arg8[%parallel_loop3A_596, %parallel_loop3A_597, %parallel_loop3A_598], %parallel_loop3A_601 {strides = array<i32>} : memref<2x8x512xf32, #tpu.memory_space<vmem>>, vector<1x1x16xf32>,
      %parallel_loop3A_602 = arith.constant 7 : i32
      %parallel_loop3A_603 = vector.broadcast %parallel_loop3A_602 : i32 to vector<16xi32>
      %parallel_loop3A_604 = arith.andi %parallel_loop3A_519, %parallel_loop3A_603 : vector<16xi32>
      %parallel_loop3A_605 = arith.constant 3 : i32
      %parallel_loop3A_606 = vector.broadcast %parallel_loop3A_605 : i32 to vector<16xi32>
      %parallel_loop3A_607 = arith.shrsi %parallel_loop3A_604, %parallel_loop3A_606 : vector<16xi32>
      %parallel_loop3A_608 = arith.constant 1 : i32
      %parallel_loop3A_609 = arith.constant 3 : i32
      %parallel_loop3A_610 = arith.index_cast %parallel_loop3A_608 : i32 to index
      %parallel_loop3A_611 = arith.index_cast %parallel_loop3A_609 : i32 to index
      %parallel_loop3A_612 = arith.index_cast %parallel_loop3A_272 : i32 to index
      %parallel_loop3A_613 = tpu.vector_load %arg9[%parallel_loop3A_610, %parallel_loop3A_611, %parallel_loop3A_612] {strides = array<i32>} : memref<2x8x512xi32, #tpu.memory_space<vmem>>, vector<1x1x16xi32>,
      %parallel_loop3A_614 = vector.shape_cast %parallel_loop3A_613 : vector<1x1x16xi32> to vector<16xi32>
      %parallel_loop3A_615 = vector.shape_cast %parallel_loop3A_607 : vector<16xi32> to vector<1x1x16xi32>
      tpu.vector_store %arg9[%parallel_loop3A_610, %parallel_loop3A_611, %parallel_loop3A_612], %parallel_loop3A_615 {strides = array<i32>} : memref<2x8x512xi32, #tpu.memory_space<vmem>>, vector<1x1x16xi32>,
      %parallel_loop3A_616 = arith.constant 1 : i32
      %parallel_loop3A_617 = arith.constant 4 : i32
      %parallel_loop3A_618 = arith.index_cast %parallel_loop3A_616 : i32 to index
      %parallel_loop3A_619 = arith.index_cast %parallel_loop3A_617 : i32 to index
      %parallel_loop3A_620 = arith.index_cast %parallel_loop3A_272 : i32 to index
      %parallel_loop3A_621 = tpu.vector_load %arg8[%parallel_loop3A_618, %parallel_loop3A_619, %parallel_loop3A_620] {strides = array<i32>} : memref<2x8x512xf32, #tpu.memory_space<vmem>>, vector<1x1x16xf32>,
      %parallel_loop3A_622 = vector.shape_cast %parallel_loop3A_621 : vector<1x1x16xf32> to vector<16xf32>
      %parallel_loop3A_623 = vector.shape_cast %parallel_loop3A_522 : vector<16xf32> to vector<1x1x16xf32>
      tpu.vector_store %arg8[%parallel_loop3A_618, %parallel_loop3A_619, %parallel_loop3A_620], %parallel_loop3A_623 {strides = array<i32>} : memref<2x8x512xf32, #tpu.memory_space<vmem>>, vector<1x1x16xf32>,
      %parallel_loop3A_624 = arith.constant 7 : i32
      %parallel_loop3A_625 = vector.broadcast %parallel_loop3A_624 : i32 to vector<16xi32>
      %parallel_loop3A_626 = arith.andi %parallel_loop3A_520, %parallel_loop3A_625 : vector<16xi32>
      %parallel_loop3A_627 = arith.constant 3 : i32
      %parallel_loop3A_628 = vector.broadcast %parallel_loop3A_627 : i32 to vector<16xi32>
      %parallel_loop3A_629 = arith.shrsi %parallel_loop3A_626, %parallel_loop3A_628 : vector<16xi32>
      %parallel_loop3A_630 = arith.constant 1 : i32
      %parallel_loop3A_631 = arith.constant 4 : i32
      %parallel_loop3A_632 = arith.index_cast %parallel_loop3A_630 : i32 to index
      %parallel_loop3A_633 = arith.index_cast %parallel_loop3A_631 : i32 to index
      %parallel_loop3A_634 = arith.index_cast %parallel_loop3A_272 : i32 to index
      %parallel_loop3A_635 = tpu.vector_load %arg9[%parallel_loop3A_632, %parallel_loop3A_633, %parallel_loop3A_634] {strides = array<i32>} : memref<2x8x512xi32, #tpu.memory_space<vmem>>, vector<1x1x16xi32>,
      %parallel_loop3A_636 = vector.shape_cast %parallel_loop3A_635 : vector<1x1x16xi32> to vector<16xi32>
      %parallel_loop3A_637 = vector.shape_cast %parallel_loop3A_629 : vector<16xi32> to vector<1x1x16xi32>
      tpu.vector_store %arg9[%parallel_loop3A_632, %parallel_loop3A_633, %parallel_loop3A_634], %parallel_loop3A_637 {strides = array<i32>} : memref<2x8x512xi32, #tpu.memory_space<vmem>>, vector<1x1x16xi32>,
      %parallel_loop3A_638 = arith.constant 1 : i32
      %parallel_loop3A_639 = arith.constant 5 : i32
      %parallel_loop3A_640 = arith.index_cast %parallel_loop3A_638 : i32 to index
      %parallel_loop3A_641 = arith.index_cast %parallel_loop3A_639 : i32 to index
      %parallel_loop3A_642 = arith.index_cast %parallel_loop3A_272 : i32 to index
      %parallel_loop3A_643 = tpu.vector_load %arg8[%parallel_loop3A_640, %parallel_loop3A_641, %parallel_loop3A_642] {strides = array<i32>} : memref<2x8x512xf32, #tpu.memory_space<vmem>>, vector<1x1x16xf32>,
      %parallel_loop3A_644 = vector.shape_cast %parallel_loop3A_643 : vector<1x1x16xf32> to vector<16xf32>
      %parallel_loop3A_645 = vector.shape_cast %parallel_loop3A_526 : vector<16xf32> to vector<1x1x16xf32>
      tpu.vector_store %arg8[%parallel_loop3A_640, %parallel_loop3A_641, %parallel_loop3A_642], %parallel_loop3A_645 {strides = array<i32>} : memref<2x8x512xf32, #tpu.memory_space<vmem>>, vector<1x1x16xf32>,
      %parallel_loop3A_646 = arith.constant 7 : i32
      %parallel_loop3A_647 = vector.broadcast %parallel_loop3A_646 : i32 to vector<16xi32>
      %parallel_loop3A_648 = arith.andi %parallel_loop3A_524, %parallel_loop3A_647 : vector<16xi32>
      %parallel_loop3A_649 = arith.constant 3 : i32
      %parallel_loop3A_650 = vector.broadcast %parallel_loop3A_649 : i32 to vector<16xi32>
      %parallel_loop3A_651 = arith.shrsi %parallel_loop3A_648, %parallel_loop3A_650 : vector<16xi32>
      %parallel_loop3A_652 = arith.constant 1 : i32
      %parallel_loop3A_653 = arith.constant 5 : i32
      %parallel_loop3A_654 = arith.index_cast %parallel_loop3A_652 : i32 to index
      %parallel_loop3A_655 = arith.index_cast %parallel_loop3A_653 : i32 to index
      %parallel_loop3A_656 = arith.index_cast %parallel_loop3A_272 : i32 to index
      %parallel_loop3A_657 = tpu.vector_load %arg9[%parallel_loop3A_654, %parallel_loop3A_655, %parallel_loop3A_656] {strides = array<i32>} : memref<2x8x512xi32, #tpu.memory_space<vmem>>, vector<1x1x16xi32>,
      %parallel_loop3A_658 = vector.shape_cast %parallel_loop3A_657 : vector<1x1x16xi32> to vector<16xi32>
      %parallel_loop3A_659 = vector.shape_cast %parallel_loop3A_651 : vector<16xi32> to vector<1x1x16xi32>
      tpu.vector_store %arg9[%parallel_loop3A_654, %parallel_loop3A_655, %parallel_loop3A_656], %parallel_loop3A_659 {strides = array<i32>} : memref<2x8x512xi32, #tpu.memory_space<vmem>>, vector<1x1x16xi32>,
      %parallel_loop3A_660 = arith.constant 1 : i32
      %parallel_loop3A_661 = arith.constant 6 : i32
      %parallel_loop3A_662 = arith.index_cast %parallel_loop3A_660 : i32 to index
      %parallel_loop3A_663 = arith.index_cast %parallel_loop3A_661 : i32 to index
      %parallel_loop3A_664 = arith.index_cast %parallel_loop3A_272 : i32 to index
      %parallel_loop3A_665 = tpu.vector_load %arg8[%parallel_loop3A_662, %parallel_loop3A_663, %parallel_loop3A_664] {strides = array<i32>} : memref<2x8x512xf32, #tpu.memory_space<vmem>>, vector<1x1x16xf32>,
      %parallel_loop3A_666 = vector.shape_cast %parallel_loop3A_665 : vector<1x1x16xf32> to vector<16xf32>
      %parallel_loop3A_667 = vector.shape_cast %parallel_loop3A_527 : vector<16xf32> to vector<1x1x16xf32>
      tpu.vector_store %arg8[%parallel_loop3A_662, %parallel_loop3A_663, %parallel_loop3A_664], %parallel_loop3A_667 {strides = array<i32>} : memref<2x8x512xf32, #tpu.memory_space<vmem>>, vector<1x1x16xf32>,
      %parallel_loop3A_668 = arith.constant 7 : i32
      %parallel_loop3A_669 = vector.broadcast %parallel_loop3A_668 : i32 to vector<16xi32>
      %parallel_loop3A_670 = arith.andi %parallel_loop3A_525, %parallel_loop3A_669 : vector<16xi32>
      %parallel_loop3A_671 = arith.constant 3 : i32
      %parallel_loop3A_672 = vector.broadcast %parallel_loop3A_671 : i32 to vector<16xi32>
      %parallel_loop3A_673 = arith.shrsi %parallel_loop3A_670, %parallel_loop3A_672 : vector<16xi32>
      %parallel_loop3A_674 = arith.constant 1 : i32
      %parallel_loop3A_675 = arith.constant 6 : i32
      %parallel_loop3A_676 = arith.index_cast %parallel_loop3A_674 : i32 to index
      %parallel_loop3A_677 = arith.index_cast %parallel_loop3A_675 : i32 to index
      %parallel_loop3A_678 = arith.index_cast %parallel_loop3A_272 : i32 to index
      %parallel_loop3A_679 = tpu.vector_load %arg9[%parallel_loop3A_676, %parallel_loop3A_677, %parallel_loop3A_678] {strides = array<i32>} : memref<2x8x512xi32, #tpu.memory_space<vmem>>, vector<1x1x16xi32>,
      %parallel_loop3A_680 = vector.shape_cast %parallel_loop3A_679 : vector<1x1x16xi32> to vector<16xi32>
      %parallel_loop3A_681 = vector.shape_cast %parallel_loop3A_673 : vector<16xi32> to vector<1x1x16xi32>
      tpu.vector_store %arg9[%parallel_loop3A_676, %parallel_loop3A_677, %parallel_loop3A_678], %parallel_loop3A_681 {strides = array<i32>} : memref<2x8x512xi32, #tpu.memory_space<vmem>>, vector<1x1x16xi32>,
      %parallel_loop3A_682 = arith.constant 1 : i32
      %parallel_loop3A_683 = arith.constant 7 : i32
      %parallel_loop3A_684 = arith.index_cast %parallel_loop3A_682 : i32 to index
      %parallel_loop3A_685 = arith.index_cast %parallel_loop3A_683 : i32 to index
      %parallel_loop3A_686 = arith.index_cast %parallel_loop3A_272 : i32 to index
      %parallel_loop3A_687 = tpu.vector_load %arg8[%parallel_loop3A_684, %parallel_loop3A_685, %parallel_loop3A_686] {strides = array<i32>} : memref<2x8x512xf32, #tpu.memory_space<vmem>>, vector<1x1x16xf32>,
      %parallel_loop3A_688 = vector.shape_cast %parallel_loop3A_687 : vector<1x1x16xf32> to vector<16xf32>
      %parallel_loop3A_689 = vector.shape_cast %parallel_loop3A_502 : vector<16xf32> to vector<1x1x16xf32>
      tpu.vector_store %arg8[%parallel_loop3A_684, %parallel_loop3A_685, %parallel_loop3A_686], %parallel_loop3A_689 {strides = array<i32>} : memref<2x8x512xf32, #tpu.memory_space<vmem>>, vector<1x1x16xf32>,
      %parallel_loop3A_690 = arith.constant 7 : i32
      %parallel_loop3A_691 = vector.broadcast %parallel_loop3A_690 : i32 to vector<16xi32>
      %parallel_loop3A_692 = arith.andi %parallel_loop3A_500, %parallel_loop3A_691 : vector<16xi32>
      %parallel_loop3A_693 = arith.constant 3 : i32
      %parallel_loop3A_694 = vector.broadcast %parallel_loop3A_693 : i32 to vector<16xi32>
      %parallel_loop3A_695 = arith.shrsi %parallel_loop3A_692, %parallel_loop3A_694 : vector<16xi32>
      %parallel_loop3A_696 = arith.constant 1 : i32
      %parallel_loop3A_697 = arith.constant 7 : i32
      %parallel_loop3A_698 = arith.index_cast %parallel_loop3A_696 : i32 to index
      %parallel_loop3A_699 = arith.index_cast %parallel_loop3A_697 : i32 to index
      %parallel_loop3A_700 = arith.index_cast %parallel_loop3A_272 : i32 to index
      %parallel_loop3A_701 = tpu.vector_load %arg9[%parallel_loop3A_698, %parallel_loop3A_699, %parallel_loop3A_700] {strides = array<i32>} : memref<2x8x512xi32, #tpu.memory_space<vmem>>, vector<1x1x16xi32>,
      %parallel_loop3A_702 = vector.shape_cast %parallel_loop3A_701 : vector<1x1x16xi32> to vector<16xi32>
      %parallel_loop3A_703 = vector.shape_cast %parallel_loop3A_695 : vector<16xi32> to vector<1x1x16xi32>
      tpu.vector_store %arg9[%parallel_loop3A_698, %parallel_loop3A_699, %parallel_loop3A_700], %parallel_loop3A_703 {strides = array<i32>} : memref<2x8x512xi32, #tpu.memory_space<vmem>>, vector<1x1x16xi32>,
    } {sc.loop_unroll_factor = 4 : i64, sc.parallel_access}
    %add3A_172 = arith.constant 512 : i32
    %add3A_173 = arith.addi %mul3A_2, %add3A_172 : i32
    %dma_start3A_174 = arith.constant 1 : i32
    %dma_start3A_175 = arith.constant 1 : i32
    %dma_start3A_176 = arith.constant 0 : i32
    %dma_start3A_177 = arith.constant 0 : i32
    %dma_start3A_178 = tpu.memref_slice %arg8[%dma_start3A_174, %dma_start3A_176, %dma_start3A_177] : memref<2x8x512xf32, #tpu.memory_space<vmem>> -> memref<1x8x512xf32, #tpu.memory_space<vmem>>
    %dma_start3A_179 = tpu.memref_squeeze %dma_start3A_178 : memref<1x8x512xf32, #tpu.memory_space<vmem>> -> memref<8x512xf32, #tpu.memory_space<vmem>>
    %dma_start3A_180 = arith.constant 0 : i32
    %dma_start3A_181 = tpu.memref_slice %arg4[%dma_start3A_180, %add3A_173] : memref<8x32768xf32, #tpu.memory_space<hbm>> -> memref<8x512xf32, #tpu.memory_space<hbm>>
    %dma_start3A_182 = tpu.memref_slice %arg11[%dma_start3A_175] : memref<2x!tpu.dma_semaphore, #tpu.memory_space<semaphore_mem>> -> memref<1x!tpu.dma_semaphore, #tpu.memory_space<semaphore_mem>>
    %dma_start3A_183 = tpu.memref_squeeze %dma_start3A_182 : memref<1x!tpu.dma_semaphore, #tpu.memory_space<semaphore_mem>> -> memref<!tpu.dma_semaphore, #tpu.memory_space<semaphore_mem>>
    %dma_start3A_184 = arith.constant 0 : i32
    %dma_start3A_185 = tpu.memref_slice %arg4[%dma_start3A_184, %add3A_173] : memref<8x32768xf32, #tpu.memory_space<hbm>> -> memref<8x512xf32, #tpu.memory_space<hbm>>
    %dma_start3A_186 = arith.constant 0 : i32
    %dma_start3A_187 = arith.constant 0 : i32
    %dma_start3A_188 = tpu.memref_slice %arg8[%dma_start3A_174, %dma_start3A_186, %dma_start3A_187] : memref<2x8x512xf32, #tpu.memory_space<vmem>> -> memref<1x8x512xf32, #tpu.memory_space<vmem>>
    %dma_start3A_189 = tpu.memref_squeeze %dma_start3A_188 : memref<1x8x512xf32, #tpu.memory_space<vmem>> -> memref<8x512xf32, #tpu.memory_space<vmem>>
    tpu.enqueue_dma source(%dma_start3A_189 : memref<8x512xf32, #tpu.memory_space<vmem>>) target(%dma_start3A_185 : memref<8x512xf32, #tpu.memory_space<hbm>>) target_semaphore(%dma_start3A_183 : memref<!tpu.dma_semaphore, #tpu.memory_space<semaphore_mem>>)
    %dma_start3A_190 = arith.constant 1 : i32
    %dma_start3A_191 = arith.constant 1 : i32
    %dma_start3A_192 = arith.constant 0 : i32
    %dma_start3A_193 = arith.constant 0 : i32
    %dma_start3A_194 = tpu.memref_slice %arg9[%dma_start3A_190, %dma_start3A_192, %dma_start3A_193] : memref<2x8x512xi32, #tpu.memory_space<vmem>> -> memref<1x8x512xi32, #tpu.memory_space<vmem>>
    %dma_start3A_195 = tpu.memref_squeeze %dma_start3A_194 : memref<1x8x512xi32, #tpu.memory_space<vmem>> -> memref<8x512xi32, #tpu.memory_space<vmem>>
    %dma_start3A_196 = arith.constant 0 : i32
    %dma_start3A_197 = tpu.memref_slice %arg5[%dma_start3A_196, %add3A_173] : memref<8x32768xi32, #tpu.memory_space<hbm>> -> memref<8x512xi32, #tpu.memory_space<hbm>>
    %dma_start3A_198 = tpu.memref_slice %arg11[%dma_start3A_191] : memref<2x!tpu.dma_semaphore, #tpu.memory_space<semaphore_mem>> -> memref<1x!tpu.dma_semaphore, #tpu.memory_space<semaphore_mem>>
    %dma_start3A_199 = tpu.memref_squeeze %dma_start3A_198 : memref<1x!tpu.dma_semaphore, #tpu.memory_space<semaphore_mem>> -> memref<!tpu.dma_semaphore, #tpu.memory_space<semaphore_mem>>
    %dma_start3A_200 = arith.constant 0 : i32
    %dma_start3A_201 = tpu.memref_slice %arg5[%dma_start3A_200, %add3A_173] : memref<8x32768xi32, #tpu.memory_space<hbm>> -> memref<8x512xi32, #tpu.memory_space<hbm>>
    %dma_start3A_202 = arith.constant 0 : i32
    %dma_start3A_203 = arith.constant 0 : i32
    %dma_start3A_204 = tpu.memref_slice %arg9[%dma_start3A_190, %dma_start3A_202, %dma_start3A_203] : memref<2x8x512xi32, #tpu.memory_space<vmem>> -> memref<1x8x512xi32, #tpu.memory_space<vmem>>
    %dma_start3A_205 = tpu.memref_squeeze %dma_start3A_204 : memref<1x8x512xi32, #tpu.memory_space<vmem>> -> memref<8x512xi32, #tpu.memory_space<vmem>>
    tpu.enqueue_dma source(%dma_start3A_205 : memref<8x512xi32, #tpu.memory_space<vmem>>) target(%dma_start3A_201 : memref<8x512xi32, #tpu.memory_space<hbm>>) target_semaphore(%dma_start3A_199 : memref<!tpu.dma_semaphore, #tpu.memory_space<semaphore_mem>>)
    %dma_wait3A_206 = arith.constant 0 : i32
    %dma_wait3A_207 = arith.constant 0 : i32
    %dma_wait3A_208 = arith.constant 0 : i32
    %dma_wait3A_209 = arith.constant 0 : i32
    %dma_wait3A_210 = tpu.memref_slice %arg8[%dma_wait3A_206, %dma_wait3A_208, %dma_wait3A_209] : memref<2x8x512xf32, #tpu.memory_space<vmem>> -> memref<1x8x512xf32, #tpu.memory_space<vmem>>
    %dma_wait3A_211 = tpu.memref_squeeze %dma_wait3A_210 : memref<1x8x512xf32, #tpu.memory_space<vmem>> -> memref<8x512xf32, #tpu.memory_space<vmem>>
    %dma_wait3A_212 = arith.constant 0 : i32
    %dma_wait3A_213 = tpu.memref_slice %arg4[%dma_wait3A_212, %add3A_104] : memref<8x32768xf32, #tpu.memory_space<hbm>> -> memref<8x512xf32, #tpu.memory_space<hbm>>
    %dma_wait3A_214 = tpu.memref_slice %arg11[%dma_wait3A_207] : memref<2x!tpu.dma_semaphore, #tpu.memory_space<semaphore_mem>> -> memref<1x!tpu.dma_semaphore, #tpu.memory_space<semaphore_mem>>
    %dma_wait3A_215 = tpu.memref_squeeze %dma_wait3A_214 : memref<1x!tpu.dma_semaphore, #tpu.memory_space<semaphore_mem>> -> memref<!tpu.dma_semaphore, #tpu.memory_space<semaphore_mem>>
    %dma_wait3A_216 = arith.constant 0 : i32
    %dma_wait3A_217 = tpu.memref_slice %arg4[%dma_wait3A_216, %add3A_104] : memref<8x32768xf32, #tpu.memory_space<hbm>> -> memref<8x512xf32, #tpu.memory_space<hbm>>
    %dma_wait3A_218 = arith.constant 0 : i32
    %dma_wait3A_219 = arith.constant 0 : i32
    %dma_wait3A_220 = tpu.memref_slice %arg8[%dma_wait3A_206, %dma_wait3A_218, %dma_wait3A_219] : memref<2x8x512xf32, #tpu.memory_space<vmem>> -> memref<1x8x512xf32, #tpu.memory_space<vmem>>
    %dma_wait3A_221 = tpu.memref_squeeze %dma_wait3A_220 : memref<1x8x512xf32, #tpu.memory_space<vmem>> -> memref<8x512xf32, #tpu.memory_space<vmem>>
    tpu.wait_dma2 semaphore(%dma_wait3A_215 : memref<!tpu.dma_semaphore, #tpu.memory_space<semaphore_mem>>) src(%dma_wait3A_221 : memref<8x512xf32, #tpu.memory_space<vmem>>) dst(%dma_wait3A_217 : memref<8x512xf32, #tpu.memory_space<hbm>>)
    %dma_wait3A_222 = arith.constant 0 : i32
    %dma_wait3A_223 = arith.constant 0 : i32
    %dma_wait3A_224 = arith.constant 0 : i32
    %dma_wait3A_225 = arith.constant 0 : i32
    %dma_wait3A_226 = tpu.memref_slice %arg9[%dma_wait3A_222, %dma_wait3A_224, %dma_wait3A_225] : memref<2x8x512xi32, #tpu.memory_space<vmem>> -> memref<1x8x512xi32, #tpu.memory_space<vmem>>
    %dma_wait3A_227 = tpu.memref_squeeze %dma_wait3A_226 : memref<1x8x512xi32, #tpu.memory_space<vmem>> -> memref<8x512xi32, #tpu.memory_space<vmem>>
    %dma_wait3A_228 = arith.constant 0 : i32
    %dma_wait3A_229 = tpu.memref_slice %arg5[%dma_wait3A_228, %add3A_104] : memref<8x32768xi32, #tpu.memory_space<hbm>> -> memref<8x512xi32, #tpu.memory_space<hbm>>
    %dma_wait3A_230 = tpu.memref_slice %arg11[%dma_wait3A_223] : memref<2x!tpu.dma_semaphore, #tpu.memory_space<semaphore_mem>> -> memref<1x!tpu.dma_semaphore, #tpu.memory_space<semaphore_mem>>
    %dma_wait3A_231 = tpu.memref_squeeze %dma_wait3A_230 : memref<1x!tpu.dma_semaphore, #tpu.memory_space<semaphore_mem>> -> memref<!tpu.dma_semaphore, #tpu.memory_space<semaphore_mem>>
    %dma_wait3A_232 = arith.constant 0 : i32
    %dma_wait3A_233 = tpu.memref_slice %arg5[%dma_wait3A_232, %add3A_104] : memref<8x32768xi32, #tpu.memory_space<hbm>> -> memref<8x512xi32, #tpu.memory_space<hbm>>
    %dma_wait3A_234 = arith.constant 0 : i32
    %dma_wait3A_235 = arith.constant 0 : i32
    %dma_wait3A_236 = tpu.memref_slice %arg9[%dma_wait3A_222, %dma_wait3A_234, %dma_wait3A_235] : memref<2x8x512xi32, #tpu.memory_space<vmem>> -> memref<1x8x512xi32, #tpu.memory_space<vmem>>
    %dma_wait3A_237 = tpu.memref_squeeze %dma_wait3A_236 : memref<1x8x512xi32, #tpu.memory_space<vmem>> -> memref<8x512xi32, #tpu.memory_space<vmem>>
    tpu.wait_dma2 semaphore(%dma_wait3A_231 : memref<!tpu.dma_semaphore, #tpu.memory_space<semaphore_mem>>) src(%dma_wait3A_237 : memref<8x512xi32, #tpu.memory_space<vmem>>) dst(%dma_wait3A_233 : memref<8x512xi32, #tpu.memory_space<hbm>>)
    %dma_wait3A_238 = arith.constant 1 : i32
    %dma_wait3A_239 = arith.constant 1 : i32
    %dma_wait3A_240 = arith.constant 0 : i32
    %dma_wait3A_241 = arith.constant 0 : i32
    %dma_wait3A_242 = tpu.memref_slice %arg8[%dma_wait3A_238, %dma_wait3A_240, %dma_wait3A_241] : memref<2x8x512xf32, #tpu.memory_space<vmem>> -> memref<1x8x512xf32, #tpu.memory_space<vmem>>
    %dma_wait3A_243 = tpu.memref_squeeze %dma_wait3A_242 : memref<1x8x512xf32, #tpu.memory_space<vmem>> -> memref<8x512xf32, #tpu.memory_space<vmem>>
    %dma_wait3A_244 = arith.constant 0 : i32
    %dma_wait3A_245 = tpu.memref_slice %arg4[%dma_wait3A_244, %add3A_173] : memref<8x32768xf32, #tpu.memory_space<hbm>> -> memref<8x512xf32, #tpu.memory_space<hbm>>
    %dma_wait3A_246 = tpu.memref_slice %arg11[%dma_wait3A_239] : memref<2x!tpu.dma_semaphore, #tpu.memory_space<semaphore_mem>> -> memref<1x!tpu.dma_semaphore, #tpu.memory_space<semaphore_mem>>
    %dma_wait3A_247 = tpu.memref_squeeze %dma_wait3A_246 : memref<1x!tpu.dma_semaphore, #tpu.memory_space<semaphore_mem>> -> memref<!tpu.dma_semaphore, #tpu.memory_space<semaphore_mem>>
    %dma_wait3A_248 = arith.constant 0 : i32
    %dma_wait3A_249 = tpu.memref_slice %arg4[%dma_wait3A_248, %add3A_173] : memref<8x32768xf32, #tpu.memory_space<hbm>> -> memref<8x512xf32, #tpu.memory_space<hbm>>
    %dma_wait3A_250 = arith.constant 0 : i32
    %dma_wait3A_251 = arith.constant 0 : i32
    %dma_wait3A_252 = tpu.memref_slice %arg8[%dma_wait3A_238, %dma_wait3A_250, %dma_wait3A_251] : memref<2x8x512xf32, #tpu.memory_space<vmem>> -> memref<1x8x512xf32, #tpu.memory_space<vmem>>
    %dma_wait3A_253 = tpu.memref_squeeze %dma_wait3A_252 : memref<1x8x512xf32, #tpu.memory_space<vmem>> -> memref<8x512xf32, #tpu.memory_space<vmem>>
    tpu.wait_dma2 semaphore(%dma_wait3A_247 : memref<!tpu.dma_semaphore, #tpu.memory_space<semaphore_mem>>) src(%dma_wait3A_253 : memref<8x512xf32, #tpu.memory_space<vmem>>) dst(%dma_wait3A_249 : memref<8x512xf32, #tpu.memory_space<hbm>>)
    %dma_wait3A_254 = arith.constant 1 : i32
    %dma_wait3A_255 = arith.constant 1 : i32
    %dma_wait3A_256 = arith.constant 0 : i32
    %dma_wait3A_257 = arith.constant 0 : i32
    %dma_wait3A_258 = tpu.memref_slice %arg9[%dma_wait3A_254, %dma_wait3A_256, %dma_wait3A_257] : memref<2x8x512xi32, #tpu.memory_space<vmem>> -> memref<1x8x512xi32, #tpu.memory_space<vmem>>
    %dma_wait3A_259 = tpu.memref_squeeze %dma_wait3A_258 : memref<1x8x512xi32, #tpu.memory_space<vmem>> -> memref<8x512xi32, #tpu.memory_space<vmem>>
    %dma_wait3A_260 = arith.constant 0 : i32
    %dma_wait3A_261 = tpu.memref_slice %arg5[%dma_wait3A_260, %add3A_173] : memref<8x32768xi32, #tpu.memory_space<hbm>> -> memref<8x512xi32, #tpu.memory_space<hbm>>
    %dma_wait3A_262 = tpu.memref_slice %arg11[%dma_wait3A_255] : memref<2x!tpu.dma_semaphore, #tpu.memory_space<semaphore_mem>> -> memref<1x!tpu.dma_semaphore, #tpu.memory_space<semaphore_mem>>
    %dma_wait3A_263 = tpu.memref_squeeze %dma_wait3A_262 : memref<1x!tpu.dma_semaphore, #tpu.memory_space<semaphore_mem>> -> memref<!tpu.dma_semaphore, #tpu.memory_space<semaphore_mem>>
    %dma_wait3A_264 = arith.constant 0 : i32
    %dma_wait3A_265 = tpu.memref_slice %arg5[%dma_wait3A_264, %add3A_173] : memref<8x32768xi32, #tpu.memory_space<hbm>> -> memref<8x512xi32, #tpu.memory_space<hbm>>
    %dma_wait3A_266 = arith.constant 0 : i32
    %dma_wait3A_267 = arith.constant 0 : i32
    %dma_wait3A_268 = tpu.memref_slice %arg9[%dma_wait3A_254, %dma_wait3A_266, %dma_wait3A_267] : memref<2x8x512xi32, #tpu.memory_space<vmem>> -> memref<1x8x512xi32, #tpu.memory_space<vmem>>
    %dma_wait3A_269 = tpu.memref_squeeze %dma_wait3A_268 : memref<1x8x512xi32, #tpu.memory_space<vmem>> -> memref<8x512xi32, #tpu.memory_space<vmem>>
    tpu.wait_dma2 semaphore(%dma_wait3A_263 : memref<!tpu.dma_semaphore, #tpu.memory_space<semaphore_mem>>) src(%dma_wait3A_269 : memref<8x512xi32, #tpu.memory_space<vmem>>) dst(%dma_wait3A_265 : memref<8x512xi32, #tpu.memory_space<hbm>>)
    return
  }
}

</mosaic_0001>

<sc_bundles>
// kernel: kernel.3.cloned.1.call-start
scs
__scs_entry_jumppad:
0x0: {  	(pc) =	sbr.rel $0x88, $3  }
0x1: {  	(tag) =	ssettag $0x0;
	lr =	simm.s32 $0x1  }
0x2: {  	[smem:$0x3F9F] =	sst lr;
	_ =	strace $0xD0000000  }
0x3: {  	_ = 	snop  }
0x4: {  	_ = 	snop  }
0x5: {  	_ = 	snop  }
0x6: {  	_ = 	snop  }
0x7: {  	_ = 	snop  }
__scs_overlays_trampoline_lowered:
0x8: {  	[smem:$0x3FAE] =	sst s0  }
0x9: {  	[smem:$0x3FAF] =	sst s1  }
0xa: {  	[smem:$0x3FB0] =	sst s2  }
0xb: {  	[smem:$0x3FB1] =	sst s3  }
0xc: {  	[smem:$0x3FB2] =	sst s4  }
0xd: {  	[smem:$0x3FB3] =	sst s5  }
0xe: {  	[smem:$0x3FB4] =	sst s6  }
0xf: {  	[smem:$0x3FB5] =	sst s7  }
0x10: {  	[smem:$0x3FB6] =	sst s8  }
0x11: {  	[smem:$0x3FB7] =	sst s9;
	s0 =	simm.s32 @!p0 $0x0  }
0x12: {  	s1 =	sld [smem:$0x3F9D];
	s0 =	simm.s32 @p0 $0x1  }
0x13: {  	[smem:$0x3FB8] =	sst s0;
	s0 =	simm.s32 @!p1 $0x0  }
0x14: {  	s2 =	sld [smem:$0x3F9C];
	s0 =	simm.s32 @p1 $0x1  }
0x15: {  	[smem:$0x3FB9] =	sst s0;
	s0 =	simm.s32 @!p2 $0x0  }
0x16: {  	s3 =	sld [smem:$0x3FDB];
	s0 =	simm.s32 @p2 $0x1  }
0x17: {  	s4 =	simm.s32 $0x1BF5;
	[smem:$0x3FBB] =	sst s0  }
0x18: {  	s0 =	sld [smem:$0x3F9E];
	_ =	swait.ge [sflag:s4], $0x0  }
0x19: {  	s7 =	sld [smem:$0x3F9F]  }
0x1a: {  	s8 =	sadd.s32 $0xFFFFE003, lr  }
0x1b: {  	s9 =	sadd.s32 $0xFFFFFEF7, lr;
	s5 =	simm.s32 $0xFFFFFFFF;
	p2 =	slt.u32 s8, $0xFFFFF086  }
0x1c: {  	p1 =	slt.u32 s9, $0xF7A;
	s5 =	simm.s32 @!p2 $0x0  }
0x1d: {  	s5 =	simm.s32 @p1 $0x1;
	p0 =	seq.s32 s7, s2  }
0x1e: {  	s7 =	smul.u32 @!p0 $0xF7A, s2;
	p2 =	seq.s32 @!p0 s5, $0x0  }
0x1f: {  	s9 =	smul.u32 $0xF7A, s1;
	s8 =	simm.s32 @!p0 $0x1BF5;
	p2 =	por !p2, p0  }
0x20: {  	[sflag:s8] =	ssyncset.s32 @!p0 $0xFFFFF086;
	s6 =	sadd.s32 @!p0 s3, s7;
	s7 =	simm.s32 @!p0 $0x108  }
0x21: {  	s3 =	sadd.s32 s3, s9;
	s6 =	sadd.s32 @!p0 $0x88, s6;
	s7 =	simm.s32 @p2 $0x1082  }
0x22: {  	[simem:s7], [sflag:s8] =	dma.local @!p0 [hbm:s6], $0xF7A  }
0x23: {  	s9 =	sor.u32 $0xD0000000, s2;
	s6 =	simm.s32 $0x108;
	_ =	swait.ge @!p0 [sflag:s8], $0x0  }
0x24: {  	s3 =	sadd.s32 $0x88, s3;
	s6 =	simm.s32 @!p1 $0x1082;
	[sflag:s4] =	ssyncset.s32 $0xFFFFF086  }
0x25: {  	[simem:s6], [sflag:s4] =	dma.local [hbm:s3], $0xF7A  }
0x26: {  	[smem:$0x3F9F] =	sst s1;
	(tag) =	ssettag s2;
	_ =	strace s9  }
0x27: {  	s1 =	sld [smem:$0x3FAF]  }
0x28: {  	s2 =	sld [smem:$0x3FB0]  }
0x29: {  	s4 =	sld [smem:$0x3FB2]  }
0x2a: {  	p0 =	seq.s32 s5, $0x0;
	s5 =	sld [smem:$0x3FB3]  }
0x2b: {  	s6 =	sld [smem:$0x3FB4]  }
0x2c: {  	s7 =	sld [smem:$0x3FB5]  }
0x2d: {  	s3 =	simm.s32 $0x108;
	s8 =	sld [smem:$0x3FB6]  }
0x2e: {  	s3 =	simm.s32 @!p0 $0x1082;
	s9 =	sld [smem:$0x3FB7]  }
0x2f: {  	lr =	sadd.s32 s0, s3;
	s0 =	sld [smem:$0x3FAE]  }
0x30: {  	s3 =	sld [smem:$0x3FB1]  }
0x31: {  	[smem:$0x3FBA] =	sst s10  }
0x32: {  	s10 =	sld [smem:$0x3FB8];
	_ =	sdelay $0x3  }
0x33: {  	p0 =	seq.s32 s10, $0x1;
	s10 =	sld [smem:$0x3FBA];
	_ =	sdelay $0x3  }
0x34: {  	[smem:$0x3FBA] =	sst s10  }
0x35: {  	s10 =	sld [smem:$0x3FB9];
	_ =	sdelay $0x3  }
0x36: {  	p1 =	seq.s32 s10, $0x1;
	s10 =	sld [smem:$0x3FBA];
	_ =	sdelay $0x3  }
0x37: {  	[smem:$0x3FBA] =	sst s10  }
0x38: {  	s10 =	sld [smem:$0x3FBB]  }
0x39: {  	_ = 	snop;
	(pc) =	sbr.ind lr, $3  }
0x3a: {  	_ = 	snop  }
0x3b: {  	_ = 	snop  }
0x3c: {  	p2 =	seq.s32 s10, $0x1;
	s10 =	sld [smem:$0x3FBA]  }
0x3d: {  	_ =	shalt  }
0x3e: {  	_ =	shalt  }
0x3f: {  	_ =	shalt  }
0x40: {  	_ =	shalt  }
0x41: {  	_ =	shalt  }
0x42: {  	_ =	shalt  }
0x43: {  	_ =	shalt  }
0x44: {  	_ =	shalt  }
0x45: {  	_ =	shalt  }
0x46: {  	_ =	shalt  }
0x47: {  	_ =	shalt  }
0x48: {  	_ =	shalt  }
0x49: {  	_ =	shalt  }
0x4a: {  	_ =	shalt  }
0x4b: {  	_ =	shalt  }
0x4c: {  	_ =	shalt  }
0x4d: {  	_ =	shalt  }
0x4e: {  	_ =	shalt  }
0x4f: {  	_ =	shalt  }
0x50: {  	_ =	shalt  }
0x51: {  	_ =	shalt  }
0x52: {  	_ =	shalt  }
0x53: {  	_ =	shalt  }
0x54: {  	_ =	shalt  }
0x55: {  	_ =	shalt  }
0x56: {  	_ =	shalt  }
0x57: {  	_ =	shalt  }
0x58: {  	_ =	shalt  }
0x59: {  	_ =	shalt  }
0x5a: {  	_ =	shalt  }
0x5b: {  	_ =	shalt  }
0x5c: {  	_ =	shalt  }
0x5d: {  	_ =	shalt  }
0x5e: {  	_ =	shalt  }
0x5f: {  	_ =	shalt  }
0x60: {  	_ =	shalt  }
0x61: {  	_ =	shalt  }
0x62: {  	_ =	shalt  }
0x63: {  	_ =	shalt  }
0x64: {  	_ =	shalt  }
0x65: {  	_ =	shalt  }
0x66: {  	_ =	shalt  }
0x67: {  	_ =	shalt  }
0x68: {  	_ =	shalt  }
0x69: {  	_ =	shalt  }
0x6a: {  	_ =	shalt  }
0x6b: {  	_ =	shalt  }
0x6c: {  	_ =	shalt  }
0x6d: {  	_ =	shalt  }
0x6e: {  	_ =	shalt  }
0x6f: {  	_ =	shalt  }
0x70: {  	_ =	shalt  }
0x71: {  	_ =	shalt  }
0x72: {  	_ =	shalt  }
0x73: {  	_ =	shalt  }
0x74: {  	_ =	shalt  }
0x75: {  	_ =	shalt  }
0x76: {  	_ =	shalt  }
0x77: {  	_ =	shalt  }
0x78: {  	_ =	shalt  }
0x79: {  	_ =	shalt  }
0x7a: {  	_ =	shalt  }
0x7b: {  	_ =	shalt  }
0x7c: {  	_ =	shalt  }
0x7d: {  	_ =	shalt  }
0x7e: {  	_ =	shalt  }
0x7f: {  	_ =	shalt  }
0x80: {  	_ =	shalt  }
0x81: {  	_ =	shalt  }
0x82: {  	_ =	shalt  }
0x83: {  	_ =	shalt  }
0x84: {  	_ =	shalt  }
0x85: {  	_ =	shalt  }
0x86: {  	_ =	shalt  }
0x87: {  	_ =	shalt  }
.Lfunc_end0:
.L_simem_size_0:
called_computation_lowered:
.L_overlay_start_0:
0x88: {  	s2 =	sld [smem:$0x3FD9]  }
0x89: {  	s3 =	sld [smem:$0x3FFE];
	_ =	sdelay $0x1  }
0x8a: {  	s1 =	srdreg.scid  }
0x8b: {  	s0 =	sand.u32 $0x1, s1  }
0x8c: {  	s15 =	sshll.u32 s0, $0xA;
	s2 =	sadd.s32 s3, s2  }
0x8d: {  	s2 =	sadd.s32 s2, s15  }
0x8e: {  	[smem:$0x3FC6] =	sst s2  }
0x8f: {  	_ = 	snop  }
0x90: {  	s2 =	sld [smem:$0x3FD0];
	_ =	sdelay $0x1  }
0x91: {  	s16 =	sld [smem:$0x3FC9]  }
0x92: {  	s5 =	simm.s32 $0xA;
	s6 =	simm.s32 $0x10;
	s4 =	sld [smem:$0x3FC8]  }
0x93: {  	[smem:s6], [sflag:s5] =	dma.local [hbm:s2], $0x1  }
0x94: {  	_ =	swait.eq [sflag:s5], $0x1  }
0x95: {  	[sflag:s5] =	ssyncset.done $0x0  }
0x96: {  	s17 =	sld [smem:$0x10];
	[sflag:s5] =	ssyncadd.s32 $0xFFFFFFFF  }
0x97: {  	s18 =	sld [smem:$0x11];
	(tm) =	ssettm $0x1  }
0x98: {  	s19 =	sld [smem:$0x3FFB];
	_ =	sdelay $0x3  }
0x99: {  	_ =	strace s19  }
0x9a: {  	s6 =	sld [smem:$0x3FFC];
	_ =	sdelay $0x3  }
0x9b: {  	_ =	strace s6  }
0x9c: {  	s6 =	sld [smem:$0x3FFD];
	_ =	sdelay $0x3  }
0x9d: {  	_ =	strace s6  }
0x9e: {  	_ =	strace $0x8FFFFFFF  }
0x9f: {  	s20 =	sld [smem:$0x3FDB];
	_ =	sdelay $0x1  }
0xa0: {  	s7 =	simm.s32 $_scs_section_size  }
0xa1: {  	s8 =	simm.s32 $_size__tile_overlayer_lowered;
	s9 =	simm.s32 $_tile_overlayer_lowered  }
0xa2: {  	s23 =	simm.s32 $0x1BFF;
	s22 =	sshll.u32 s9, $0x1;
	s6 =	sadd.s32 s7, s20  }
0xa3: {  	s10 =	simm.s32 $0x0;
	s21 =	sshll.u32 s8, $0x1;
	s8 =	sadd.s32 s22, s6  }
0xa4: {  	[timem:s10], [sflag:s23] =	dma.local [hbm:s8], s21  }
0xa5: {  	_ =	swait.ge [sflag:s23], s21  }
0xa6: {  	s7 =	ssub.s32 $0x0, s21;
	[sflag:s23] =	ssyncset.done $0x0  }
0xa7: {  	[sflag:s23] =	ssyncadd.s32 s7;
	_ =	sdelay $0x1  }
0xa8: {  	s24 =	simm.s32 $0x1B8B  }
0xa9: {  	_ =	swait.ge [sflag:s24], $0x1  }
0xaa: {  	[sflag:s24] =	ssyncset.done $0x0  }
0xab: {  	s25 =	simm.s32 $0x1B8E;
	[sflag:s24] =	ssyncadd.s32 $0xFFFFFFFF  }
0xac: {  	s26 =	simm.s32 $execute0_lowered;
	[smem:$0x3FD2] =	sst s25  }
0xad: {  	s7 =	sshll.u32 s26, $0x1;
	_ =	strace $0x80000046;
	[dreg:$0x1] =	wrdreg $0xFFFFFFFF  }
0xae: {  	s28 =	simm.s32 $_size_execute0_lowered;
	s6 =	sadd.s32 s6, s7;
	[dreg:$0x0] =	wrdreg $0x0  }
0xaf: {  	s7 =	sshll.u32 s28, $0x1;
	[dreg:$0x2] =	wrdreg s6  }
0xb0: {  	[dreg:$0x3] =	wrdreg s7  }
0xb1: {  	[dreg:$0x4] =	wrdreg $0xC0  }
0xb2: {  	_ =	task [dreg:s10], $0x5FFFF  }
0xb3: {  	[dreg:$0x1] =	wrdreg $0xFFFFFFFF  }
0xb4: {  	[dreg:$0x0] =	wrdreg $0x60  }
0xb5: {  	[dreg:$0x2] =	wrdreg s4  }
0xb6: {  	[dreg:$0x3] =	wrdreg s16  }
0xb7: {  	[dreg:$0x4] =	wrdreg s17  }
0xb8: {  	[dreg:$0x5] =	wrdreg s18  }
0xb9: {  	[dreg:$0x6] =	wrdreg $0x9  }
0xba: {  	_ =	task.clear_ibuf [dreg:s10], $0x7FFFF;
	_ =	strace $0x90000046  }
0xbb: {  	s29 =	simm.s32 $0x9;
	_ =	strace $0x80000048  }
0xbc: {  	_ =	swait.ge [sflag:s29], $0x1  }
0xbd: {  	[sflag:s29] =	ssyncadd.s32 $0xFFFFFFFF  }
0xbe: {  	_ =	strace $0x90000048  }
0xbf: {  	_ =	sfence  }
0xc0: {  	s30 =	sld [smem:$0x0];
	_ =	sdelay $0x2  }
0xc1: {  	s31 =	sshll.u32 s1, $0xD;
	s1 =	sshrl.u32 s1, $0x2  }
0xc2: {  	s3 =	sand.u32 $0x4000, s31;
	s1 =	sadd.s32 s1, s30  }
0xc3: {  	s0 =	sor.u32 s3, s0;
	s1 =	sshll.u32 s1, $0x11  }
0xc4: {  	s0 =	sor.u32 s1, s0  }
0xc5: {  	s0 =	sadd.s32 $0x8F2B, s0  }
0xc6: {  	[sflag:s0] =	ssyncadd.remote.s32 $0x1  }
0xc7: {  	_ =	sfence.sel $0xFFFF  }
0xc8: {  	[dreg:$0x0] =	wrdreg $0xFFFFFFFF;
	(pc) =	sbr.abs _section_cstart, $3  }
0xc9: {  	[dreg:$0x1] =	wrdreg $0xFFFFFFFF  }
0xca: {  	_ =	task.clear_ibuf [dreg:s10], $0x2FFFF;
	_ =	strace $0x9FFFFFFF  }
0xcb: {  	(tm) =	ssettm $0x7FFFFFFF  }
tec
execute0_lowered:
.L_overlay_start_1:
0x0: {  	(tag) =	ssettag $0x1  }
0x1: {  	s0 =	rddreg [dreg:$0x0]  }
0x2: {  	s1 =	rddreg [dreg:$0x1]  }
0x3: {  	s3 =	rddreg [dreg:$0x2]  }
0x4: {  	s4 =	rddreg [dreg:$0x3];
	s5 =	srdreg.scid;
	s2 =	simm.s32 $0x0  }
0x5: {  	s7 =	stileid.u32;
	s15 =	simm.s32 $0x1;
	s18 =	simm.s32 $0x2  }
0x6: {  	s21 =	simm.s32 $0x3;
	s22 =	simm.s32 $0x4;
	s5 =	sand.u32 $0x1, s5  }
0x7: {  	s23 =	simm.s32 $0x0;
	s7 =	sshll.u32 s7, $0xB;
	s6 =	ssub.s32 $0x2, s5  }
0x8: {  	[smem:$0x7FF] =	sst s2;
	s5 =	sshll.u32 s5, $0xA;
	s8 =	sshrl.u32 s6, $0x1  }
0x9: {  	_ =	strace $0x80000047;
	s9 =	sor.u32 s5, s7;
	s11 =	ssub.s32 s6, s8  }
0xa: {  	s10 =	sor.u32 $0x200, s9;
	s5 =	sadd.s32 s0, s9;
	s31 =	sadd.s32 s1, s9  }
0xb: {  	s7 =	sadd.s32 s3, s9;
	s8 =	sadd.s32 s4, s9;
	[dreg:$0x5] =	wrdreg s5  }
0xc: {  	[dreg:$0x6] =	wrdreg s31;
	s5 =	sadd.s32 s0, s10;
	s6 =	sadd.s32 s1, s10  }
0xd: {  	v0 =	vimm.s32 $0x0;
	s9 =	sadd.s32 s3, s10;
	s10 =	sadd.s32 s4, s10;
	s11 =	smax.u32 s11, $0x1  }
.LBB2_1:
0xe: {  	s0 =	rddreg [dreg:$0x5]  }
0xf: {  	[tilespmem:s2], [sflag:$0x1] =	stream.linear.gather [hbm4b:s0+s2], $0x1000, $0x38;
	[tilespmem:$0x8000] =	vst v63  }
0x10: {  	s29 =	rddreg [dreg:$0x6];
	s1 =	simm.s32 $0x2000  }
0x11: {  	[tilespmem:s1], [sflag:$0x1] =	stream.linear.gather [hbm4b:s29+s2], $0x1000, $0x38;
	[tilespmem:$0x8000] =	vst v63  }
0x12: {  	s30 =	simm.s32 $0x1000  }
0x13: {  	[tilespmem:s30], [sflag:$0x2] =	stream.linear.gather [hbm4b:s5+s2], $0x1000, $0x38;
	[tilespmem:$0x8000] =	vst v63  }
0x14: {  	s31 =	simm.s32 $0x3000  }
0x15: {  	[tilespmem:s31], [sflag:$0x2] =	stream.linear.gather [hbm4b:s6+s2], $0x1000, $0x38;
	[tilespmem:$0x8000] =	vst v63  }
0x16: {  	_ =	swait.ge [sflag:s15], $0x1000  }
0x17: {  	[sflag:s15] =	ssyncset.done $0x0  }
0x18: {  	[sflag:s15] =	ssyncadd.s32 $0xFFFFF000  }
0x19: {  	_ =	swait.ge [sflag:s15], $0x1000  }
0x1a: {  	s24 =	simm.s32 $0xFFFFFFFC;
	p0 =	por $0x0, $0x0;
	[sflag:s15] =	ssyncset.done $0x0  }
0x1b: {  	s25 =	simm.s32 $0x0;
	s26 =	simm.s32 $0x0;
	[sflag:s15] =	ssyncadd.s32 $0xFFFFF000  }
.LBB2_2:
0x1c: {  	s0 =	sand.u32 $0x40, s25;
	s1 =	sand.u32 $0xC00, s26  }
0x1d: {  	s28 =	sor.u32 s0, s1  }
0x1e: {  	v1 =	vld [tilespmem:s28+$0x0]  }
0x1f: {  	s20 =	sor.u32 s26, s25;
	v2 =	vld [tilespmem:s28+$0x80]  }
0x20: {  	s30 =	sor.u32 $0x380, s20;
	v3 =	vld [tilespmem:s28+$0x100]  }
0x21: {  	v8 =	vld [tilespmem:s30+$0x0]  }
0x22: {  	v9 =	vld [tilespmem:s28+$0x2000]  }
0x23: {  	v52 =	vld [tilespmem:s28+$0x10]  }
0x24: {  	s3 =	simm.s32 $0x1;
	v53 =	vld [tilespmem:s28+$0x90]  }
0x25: {  	s3 =	simm.s32 @!p0 $0x0;
	s1 =	sor.u32 s1, s25;
	v56 =	vld [tilespmem:s28+$0x110]  }
0x26: {  	s19 =	sshll.u32 s3, $0x6;
	s13 =	sor.u32 $0x180, s1;
	v19 =	vld [tilespmem:s28+$0x190]  }
0x27: {  	s0 =	sadd.s32 s19, s26;
	v4 =	vld [tilespmem:s13+$0x0]  }
0x28: {  	v11 =	vld [tilespmem:s28+$0x2080];
	s12 =	sor.u32 $0x200, s0  }
0x29: {  	s1 =	sor.u32 $0x280, s0;
	v5 =	vld [tilespmem:s12+$0x0];
	v1 =	vshll.u32 v1, $0x3;
	v2 =	vshll.u32 v2, $0x3  }
0x2a: {  	s31 =	sor.u32 $0x300, s0;
	v6 =	vld [tilespmem:s1+$0x0];
	v3 =	vshll.u32 v3, $0x3;
	v8 =	vshll.u32 v8, $0x3;
	v60 =	vshll.u32 v52, $0x3  }
0x2b: {  	v7 =	vld [tilespmem:s31+$0x0];
	v61 =	vshll.u32 v53, $0x3;
	v22 =	vshll.u32 v56, $0x3;
	v23 =	vshll.u32 v19, $0x3  }
0x2c: {  	v12 =	vld [tilespmem:s28+$0x2100];
	s29 =	sadd.s32 $0x10, s0;
	v10 =	vor.u32 $0x1, v2;
	v4 =	vshll.u32 v4, $0x3;
	v3 =	vor.u32 $0x2, v3  }
0x2d: {  	v13 =	vld [tilespmem:s13+$0x2000];
	s16 =	sor.u32 $0x280, s29;
	v8 =	vor.u32 $0x7, v8;
	vm0 =	vgt.s32 v1, v2;
	v63 =	vor.u32 $0x1, v61  }
0x2e: {  	v21 =	vld [tilespmem:s16+$0x0];
	v4 =	vor.u32 $0x3, v4;
	vm1 =	vgt.s32 v1, v10;
	v29 =	vsel vm0, v11, v9  }
0x2f: {  	v9 =	vsel vm0, v9, v11;
	v5 =	vshll.u32 v5, $0x3;
	v6 =	vshll.u32 v6, $0x3  }
0x30: {  	v7 =	vshll.u32 v7, $0x3;
	v2 =	vsel vm1, v10, v1;
	v1 =	vsel vm1, v1, v10  }
0x31: {  	vm13 =	vlt.s32 v3, v4;
	v5 =	vor.u32 $0x4, v5;
	v6 =	vor.u32 $0x5, v6  }
0x32: {  	v17 =	vld [tilespmem:s30+$0x2000];
	v7 =	vor.u32 $0x6, v7;
	v30 =	vsel vm13, v3, v4;
	v3 =	vsel vm13, v4, v3  }
0x33: {  	v14 =	vld [tilespmem:s12+$0x2000];
	v31 =	vsel vm13, v12, v13;
	v12 =	vsel vm13, v13, v12;
	v26 =	vshll.u32 v21, $0x3  }
0x34: {  	v15 =	vld [tilespmem:s1+$0x2000];
	vm14 =	vgt.s32 v2, v30;
	vm15 =	vlt.s32 v2, v30;
	vm4 =	vgt.s32 v1, v3  }
0x35: {  	v16 =	vld [tilespmem:s31+$0x2000];
	vm5 =	vlt.s32 v1, v3;
	vm8 =	vlt.s32 v5, v6;
	vm9 =	vlt.s32 v7, v8  }
0x36: {  	v32 =	vsel vm14, v30, v2;
	v2 =	vsel vm14, v2, v30;
	v33 =	vsel vm15, v29, v31  }
0x37: {  	v4 =	vsel vm15, v31, v29;
	v34 =	vsel vm4, v3, v1;
	v1 =	vsel vm4, v1, v3  }
0x38: {  	v3 =	vsel vm5, v9, v12;
	v9 =	vsel vm5, v12, v9;
	v37 =	vsel vm8, v5, v6  }
0x39: {  	v5 =	vsel vm8, v6, v5;
	v38 =	vsel vm8, v14, v15;
	v14 =	vsel vm8, v15, v14  }
0x3a: {  	v39 =	vsel vm9, v7, v8;
	v7 =	vsel vm9, v8, v7;
	v40 =	vsel vm9, v16, v17  }
0x3b: {  	v16 =	vsel vm9, v17, v16;
	v17 =	vor.u32 $0x3, v23;
	vm6 =	vgt.s32 v34, v2  }
0x3c: {  	vm7 =	vlt.s32 v34, v2;
	vm10 =	vlt.s32 v37, v39;
	vm11 =	vgt.s32 v37, v39  }
0x3d: {  	vm12 =	vlt.s32 v5, v7;
	vm13 =	vgt.s32 v5, v7;
	v35 =	vsel vm6, v2, v34  }
0x3e: {  	v2 =	vsel vm6, v34, v2;
	v36 =	vsel vm7, v3, v4;
	v3 =	vsel vm7, v4, v3  }
0x3f: {  	v41 =	vsel vm11, v39, v37;
	v4 =	vsel vm11, v37, v39;
	v42 =	vsel vm10, v38, v40  }
0x40: {  	v6 =	vsel vm10, v40, v38;
	v43 =	vsel vm13, v7, v5;
	v5 =	vsel vm13, v5, v7  }
0x41: {  	v44 =	vsel vm12, v14, v16;
	v14 =	vsel vm12, v16, v14;
	v16 =	vor.u32 $0x2, v22  }
0x42: {  	vm14 =	vlt.s32 v43, v4;
	vm15 =	vgt.s32 v43, v4;
	vm4 =	vlt.s32 v32, v41  }
0x43: {  	vm5 =	vgt.s32 v32, v41;
	vm10 =	vlt.s32 v1, v5;
	v45 =	vsel vm15, v4, v43  }
0x44: {  	v8 =	vsel vm15, v43, v4;
	v18 =	vsel vm14, v44, v6;
	v6 =	vsel vm14, v6, v44  }
0x45: {  	v46 =	vsel vm5, v32, v41;
	v4 =	vsel vm4, v33, v42;
	v11 =	vsel vm4, v42, v33  }
0x46: {  	v5 =	vsel vm10, v1, v5;
	v51 =	vsel vm10, v9, v14;
	v1 =	vsel vm10, v14, v9  }
0x47: {  	v62 =	vld [tilespmem:s28+$0x2010];
	vm6 =	vgt.s32 v35, v45;
	vm7 =	vlt.s32 v35, v45;
	vm8 =	vgt.s32 v2, v8  }
0x48: {  	v24 =	vld [tilespmem:s28+$0x2090];
	vm9 =	vlt.s32 v2, v8;
	v47 =	vsel vm6, v45, v35;
	v12 =	vsel vm6, v35, v45  }
0x49: {  	v25 =	vld [tilespmem:s28+$0x2110];
	v48 =	vsel vm7, v36, v18;
	v10 =	vsel vm7, v18, v36;
	v49 =	vsel vm8, v8, v2  }
0x4a: {  	v27 =	vld [tilespmem:s28+$0x2190];
	v2 =	vsel vm8, v2, v8;
	v50 =	vsel vm9, v3, v6;
	v3 =	vsel vm9, v6, v3  }
0x4b: {  	vm6 =	vgt.s32 v60, v61;
	vm7 =	vgt.s32 v60, v63;
	vm8 =	vlt.s32 v16, v17  }
0x4c: {  	s17 =	sor.u32 $0x200, s29;
	vm11 =	vlt.s32 v49, v46;
	vm12 =	vgt.s32 v49, v46;
	vm13 =	vlt.s32 v5, v12  }
0x4d: {  	v57 =	vld [tilespmem:s17+$0x0];
	vm14 =	vgt.s32 v5, v12;
	v28 =	vsel vm7, v63, v60;
	v29 =	vsel vm6, v24, v62  }
0x4e: {  	v14 =	vsel vm6, v62, v24;
	v30 =	vsel vm8, v16, v17;
	v16 =	vsel vm8, v17, v16  }
0x4f: {  	v31 =	vsel vm8, v25, v27;
	v19 =	vsel vm8, v27, v25;
	v54 =	vsel vm12, v46, v49  }
0x50: {  	v7 =	vsel vm12, v49, v46;
	v55 =	vsel vm11, v50, v11;
	v11 =	vsel vm11, v11, v50  }
0x51: {  	v20 =	vsel vm14, v12, v5;
	v5 =	vsel vm14, v5, v12;
	v58 =	vsel vm13, v51, v10  }
0x52: {  	s14 =	sor.u32 $0x300, s29;
	s29 =	sor.u32 $0x380, s29;
	v10 =	vsel vm13, v10, v51;
	v12 =	vshll.u32 v57, $0x3;
	vm9 =	vgt.s32 v28, v30  }
0x53: {  	v59 =	vld [tilespmem:s29+$0x0];
	vm10 =	vlt.s32 v28, v30;
	vm15 =	vlt.s32 v47, v54;
	vm4 =	vlt.s32 v20, v7  }
0x54: {  	vm5 =	vlt.s32 v5, v2;
	v12 =	vor.u32 $0x4, v12;
	v20 =	vor.u32 $0x5, v26  }
0x55: {  	v23 =	vld [tilespmem:s16+$0x2000];
	v32 =	vsel vm9, v30, v28;
	v13 =	vsel vm9, v28, v30;
	v33 =	vsel vm10, v29, v31  }
0x56: {  	v22 =	vld [tilespmem:s17+$0x2000];
	v15 =	vsel vm10, v31, v29;
	v9 =	vsel vm15, v48, v55;
	v8 =	vsel vm15, v55, v48  }
0x57: {  	v7 =	vsel vm4, v58, v11;
	v6 =	vsel vm4, v11, v58;
	v5 =	vsel vm5, v10, v3  }
0x58: {  	v2 =	vld [tilespmem:s14+$0x0];
	v3 =	vsel vm5, v3, v10;
	v11 =	vshll.u32 v59, $0x3;
	v10 =	vsel vm7, v60, v63  }
0x59: {  	vm15 =	vlt.s32 v12, v20;
	v11 =	vor.u32 $0x7, v11;
	vm11 =	vgt.s32 v10, v16  }
0x5a: {  	v24 =	vld [tilespmem:s14+$0x2000];
	vm12 =	vlt.s32 v10, v16;
	v38 =	vsel vm15, v12, v20;
	v12 =	vsel vm15, v20, v12  }
0x5b: {  	v26 =	vld [tilespmem:s28+$0x20];
	v39 =	vsel vm15, v22, v23;
	v22 =	vsel vm15, v23, v22;
	v34 =	vsel vm11, v16, v10  }
0x5c: {  	v25 =	vld [tilespmem:s29+$0x2000];
	v10 =	vsel vm11, v10, v16;
	v35 =	vsel vm12, v14, v19;
	v14 =	vsel vm12, v19, v14  }
0x5d: {  	vm13 =	vgt.s32 v34, v13;
	vm14 =	vlt.s32 v34, v13;
	v2 =	vshll.u32 v2, $0x3  }
0x5e: {  	v36 =	vsel vm13, v13, v34;
	v13 =	vsel vm13, v34, v13;
	v2 =	vor.u32 $0x6, v2  }
0x5f: {  	v37 =	vsel vm14, v35, v15;
	v15 =	vsel vm14, v15, v35;
	vm4 =	vlt.s32 v2, v11  }
0x60: {  	v62 =	vshll.u32 v26, $0x3;
	v40 =	vsel vm4, v2, v11;
	v2 =	vsel vm4, v11, v2  }
0x61: {  	v41 =	vsel vm4, v24, v25;
	v24 =	vsel vm4, v25, v24;
	vm5 =	vlt.s32 v38, v40  }
0x62: {  	vm6 =	vgt.s32 v38, v40;
	vm7 =	vlt.s32 v12, v2;
	vm8 =	vgt.s32 v12, v2  }
0x63: {  	v42 =	vsel vm6, v40, v38;
	v16 =	vsel vm6, v38, v40;
	v43 =	vsel vm5, v39, v41  }
0x64: {  	v11 =	vsel vm5, v41, v39;
	v44 =	vsel vm8, v2, v12;
	v2 =	vsel vm8, v12, v2  }
0x65: {  	v54 =	vld [tilespmem:s28+$0xA0];
	v45 =	vsel vm7, v22, v24;
	v22 =	vsel vm7, v24, v22;
	vm9 =	vlt.s32 v44, v16  }
0x66: {  	v27 =	vld [tilespmem:s28+$0x1A0];
	vm10 =	vgt.s32 v44, v16;
	vm11 =	vlt.s32 v32, v42;
	vm12 =	vgt.s32 v32, v42  }
0x67: {  	vm5 =	vlt.s32 v10, v2;
	v46 =	vsel vm10, v16, v44;
	v16 =	vsel vm10, v44, v16  }
0x68: {  	v47 =	vsel vm9, v45, v11;
	v12 =	vsel vm9, v11, v45;
	v21 =	vsel vm12, v32, v42  }
0x69: {  	s19 =	sadd.s32 $0x20, s0;
	v11 =	vsel vm11, v33, v43;
	v18 =	vsel vm11, v43, v33;
	v10 =	vsel vm5, v10, v2  }
0x6a: {  	s3 =	sor.u32 $0x280, s19;
	v53 =	vsel vm5, v14, v22;
	v2 =	vsel vm5, v22, v14;
	v22 =	vshll.u32 v54, $0x3  }
0x6b: {  	v29 =	vld [tilespmem:s3+$0x0];
	v33 =	vshll.u32 v27, $0x3;
	vm13 =	vgt.s32 v36, v46;
	vm14 =	vlt.s32 v36, v46  }
0x6c: {  	v63 =	vld [tilespmem:s28+$0x2020];
	vm15 =	vgt.s32 v13, v16;
	vm4 =	vlt.s32 v13, v16;
	v32 =	vor.u32 $0x1, v22  }
0x6d: {  	v34 =	vld [tilespmem:s28+$0x20A0];
	v25 =	vor.u32 $0x3, v33;
	v48 =	vsel vm13, v46, v36;
	v19 =	vsel vm13, v36, v46  }
0x6e: {  	v49 =	vsel vm14, v37, v47;
	v17 =	vsel vm14, v47, v37;
	v50 =	vsel vm15, v16, v13  }
0x6f: {  	v13 =	vsel vm15, v13, v16;
	v51 =	vsel vm4, v15, v12;
	v52 =	vsel vm4, v12, v15  }
0x70: {  	s4 =	sor.u32 $0x200, s19;
	v57 =	vld [tilespmem:s28+$0x120];
	v36 =	vshll.u32 v29, $0x3;
	vm13 =	vgt.s32 v62, v22;
	vm14 =	vgt.s32 v62, v32  }
0x71: {  	v58 =	vld [tilespmem:s4+$0x0];
	vm6 =	vlt.s32 v50, v21;
	vm7 =	vgt.s32 v50, v21;
	vm8 =	vlt.s32 v10, v19  }
0x72: {  	s20 =	sor.u32 $0x300, s19;
	vm9 =	vgt.s32 v10, v19;
	v38 =	vsel vm14, v32, v62;
	v39 =	vsel vm13, v34, v63  }
0x73: {  	v60 =	vld [tilespmem:s20+$0x0];
	v23 =	vsel vm13, v63, v34;
	v55 =	vsel vm7, v21, v50;
	v20 =	vsel vm7, v50, v21  }
0x74: {  	v56 =	vsel vm6, v51, v18;
	v18 =	vsel vm6, v18, v51;
	v28 =	vsel vm9, v19, v10  }
0x75: {  	s19 =	sor.u32 $0x380, s19;
	v10 =	vsel vm9, v10, v19;
	v59 =	vsel vm8, v53, v17;
	v17 =	vsel vm8, v17, v53  }
0x76: {  	v61 =	vld [tilespmem:s19+$0x0];
	v21 =	vshll.u32 v57, $0x3;
	v19 =	vshll.u32 v58, $0x3;
	vm10 =	vlt.s32 v48, v55  }
0x77: {  	[tilespmem:s28+$0x6000] =	vst v0;
	v35 =	vld [tilespmem:s28+$0x2120];
	vm11 =	vlt.s32 v28, v20;
	vm12 =	vlt.s32 v10, v13;
	v21 =	vor.u32 $0x2, v21  }
0x78: {  	[tilespmem:s28+$0x6080] =	vst v0;
	v37 =	vld [tilespmem:s28+$0x21A0];
	v19 =	vor.u32 $0x4, v19;
	v20 =	vshll.u32 v60, $0x3;
	v28 =	vor.u32 $0x5, v36  }
0x79: {  	[tilespmem:s28+$0x6100] =	vst v0;
	v30 =	vld [tilespmem:s4+$0x2000];
	v16 =	vsel vm10, v49, v56;
	v15 =	vsel vm10, v56, v49;
	v14 =	vsel vm11, v59, v18  }
0x7a: {  	[tilespmem:s28+$0x4000] =	vst v4;
	v31 =	vld [tilespmem:s3+$0x2000];
	v13 =	vsel vm11, v18, v59;
	v12 =	vsel vm12, v17, v52;
	v10 =	vsel vm12, v52, v17  }
0x7b: {  	[tilespmem:s28+$0x4080] =	vst v9;
	v20 =	vor.u32 $0x6, v20;
	v18 =	vshll.u32 v61, $0x3;
	v17 =	vsel vm14, v62, v32  }
0x7c: {  	[tilespmem:s28+$0x4100] =	vst v8;
	v34 =	vld [tilespmem:s28+$0xB0];
	vm15 =	vlt.s32 v21, v25;
	vm10 =	vlt.s32 v19, v28;
	v18 =	vor.u32 $0x7, v18  }
0x7d: {  	[tilespmem:s13+$0x4000] =	vst v7;
	v40 =	vsel vm15, v21, v25;
	v21 =	vsel vm15, v25, v21;
	v41 =	vsel vm15, v35, v37  }
0x7e: {  	[tilespmem:s13+$0x6000] =	vst v0;
	v27 =	vsel vm15, v37, v35;
	v48 =	vsel vm10, v19, v28;
	v19 =	vsel vm10, v28, v19  }
0x7f: {  	[tilespmem:s12+$0x4000] =	vst v6;
	v49 =	vsel vm10, v30, v31;
	v30 =	vsel vm10, v31, v30;
	vm4 =	vgt.s32 v38, v40  }
0x80: {  	[tilespmem:s12+$0x6000] =	vst v0;
	vm5 =	vlt.s32 v38, v40;
	vm6 =	vgt.s32 v17, v21;
	vm7 =	vlt.s32 v17, v21  }
0x81: {  	[tilespmem:s1+$0x4000] =	vst v5;
	vm11 =	vlt.s32 v20, v18;
	v5 =	vshll.u32 v34, $0x3;
	v42 =	vsel vm4, v40, v38  }
0x82: {  	v33 =	vld [tilespmem:s19+$0x2000];
	v22 =	vsel vm4, v38, v40;
	v43 =	vsel vm5, v39, v41;
	v24 =	vsel vm5, v41, v39  }
0x83: {  	v32 =	vld [tilespmem:s20+$0x2000];
	v44 =	vsel vm6, v21, v17;
	v17 =	vsel vm6, v17, v21;
	v45 =	vsel vm7, v23, v27  }
0x84: {  	v23 =	vsel vm7, v27, v23;
	v50 =	vsel vm11, v20, v18;
	v18 =	vsel vm11, v18, v20  }
0x85: {  	vm8 =	vgt.s32 v44, v22;
	vm9 =	vlt.s32 v44, v22;
	vm12 =	vlt.s32 v48, v50  }
0x86: {  	vm13 =	vgt.s32 v48, v50;
	vm14 =	vlt.s32 v19, v18;
	vm15 =	vgt.s32 v19, v18  }
0x87: {  	v46 =	vsel vm8, v22, v44;
	v22 =	vsel vm8, v44, v22;
	v47 =	vsel vm9, v45, v24  }
0x88: {  	v37 =	vld [tilespmem:s28+$0x130];
	v21 =	vsel vm9, v24, v45;
	v51 =	vsel vm11, v32, v33;
	v32 =	vsel vm11, v33, v32  }
0x89: {  	v52 =	vsel vm13, v50, v48;
	v24 =	vsel vm13, v48, v50;
	v54 =	vsel vm15, v18, v19  }
0x8a: {  	v18 =	vsel vm15, v19, v18;
	v53 =	vsel vm12, v49, v51;
	v20 =	vsel vm12, v51, v49  }
0x8b: {  	[tilespmem:s1+$0x6000] =	vst v0;
	s1 =	sadd.s32 $0x30, s0;
	v55 =	vsel vm14, v30, v32;
	v56 =	vsel vm14, v32, v30;
	vm4 =	vlt.s32 v54, v24  }
0x8c: {  	s0 =	sor.u32 $0x200, s1;
	vm5 =	vgt.s32 v54, v24;
	vm6 =	vlt.s32 v42, v52;
	vm7 =	vgt.s32 v42, v52  }
0x8d: {  	v40 =	vld [tilespmem:s0+$0x0];
	vm12 =	vlt.s32 v17, v18;
	v49 =	vor.u32 $0x1, v5;
	v50 =	vshll.u32 v37, $0x3  }
0x8e: {  	v57 =	vsel vm5, v24, v54;
	v4 =	vsel vm5, v54, v24;
	v58 =	vsel vm4, v55, v20  }
0x8f: {  	v19 =	vsel vm4, v20, v55;
	v59 =	vsel vm7, v42, v52;
	v28 =	vsel vm6, v43, v53  }
0x90: {  	v38 =	vld [tilespmem:s28+$0x1B0];
	v26 =	vsel vm6, v53, v43;
	v17 =	vsel vm12, v17, v18;
	v32 =	vsel vm12, v23, v56  }
0x91: {  	[tilespmem:s31+$0x4000] =	vst v3;
	vm8 =	vgt.s32 v46, v57;
	vm9 =	vlt.s32 v46, v57;
	vm10 =	vgt.s32 v22, v4  }
0x92: {  	[tilespmem:s31+$0x6000] =	vst v0;
	s31 =	sor.u32 $0x300, s1;
	v33 =	vld [tilespmem:s28+$0x30];
	vm11 =	vlt.s32 v22, v4;
	v9 =	vshll.u32 v40, $0x3;
	v60 =	vsel vm8, v57, v46  }
0x93: {  	v44 =	vld [tilespmem:s31+$0x0];
	v61 =	vsel vm8, v46, v57;
	v62 =	vsel vm9, v47, v58;
	v24 =	vsel vm9, v58, v47  }
0x94: {  	v63 =	vsel vm10, v4, v22;
	v30 =	vsel vm10, v22, v4;
	v31 =	vsel vm11, v21, v19  }
0x95: {  	v19 =	vsel vm11, v19, v21;
	v4 =	vsel vm12, v56, v23;
	v22 =	vshll.u32 v38, $0x3  }
0x96: {  	[tilespmem:s28+$0x6010] =	vst v0;
	v21 =	vor.u32 $0x2, v50;
	v9 =	vor.u32 $0x4, v9;
	vm13 =	vlt.s32 v63, v59  }
0x97: {  	[tilespmem:s28+$0x6090] =	vst v0;
	v48 =	vld [tilespmem:s28+$0x2030];
	vm14 =	vgt.s32 v63, v59;
	vm15 =	vlt.s32 v17, v61;
	vm4 =	vgt.s32 v17, v61  }
0x98: {  	[tilespmem:s28+$0x6110] =	vst v0;
	s12 =	sor.u32 $0x280, s1;
	v51 =	vld [tilespmem:s28+$0x20B0];
	v47 =	vshll.u32 v33, $0x3;
	v22 =	vor.u32 $0x3, v22;
	v6 =	vshll.u32 v44, $0x3  }
0x99: {  	[tilespmem:s28+$0x6190] =	vst v0;
	v43 =	vld [tilespmem:s12+$0x0];
	v35 =	vsel vm14, v59, v63;
	v20 =	vsel vm14, v63, v59;
	v36 =	vsel vm13, v31, v26  }
0x9a: {  	[tilespmem:s30+$0x4000] =	vst v1;
	v52 =	vld [tilespmem:s28+$0x2130];
	v3 =	vsel vm13, v26, v31;
	v39 =	vsel vm4, v61, v17;
	v7 =	vsel vm4, v17, v61  }
0x9b: {  	[tilespmem:s30+$0x6000] =	vst v0;
	v54 =	vld [tilespmem:s28+$0x21B0];
	v1 =	vsel vm15, v32, v24;
	v41 =	vsel vm15, v24, v32;
	v6 =	vor.u32 $0x6, v6  }
0x9c: {  	[tilespmem:s28+$0x4010] =	vst v11;
	vm8 =	vgt.s32 v47, v5;
	vm9 =	vgt.s32 v47, v49;
	vm10 =	vlt.s32 v21, v22  }
0x9d: {  	[tilespmem:s28+$0x6020] =	vst v0;
	vm5 =	vlt.s32 v60, v35;
	vm6 =	vlt.s32 v39, v20;
	vm7 =	vlt.s32 v7, v30  }
0x9e: {  	s13 =	sor.u32 $0x380, s1;
	[tilespmem:s28+$0x60A0] =	vst v0;
	v53 =	vshll.u32 v43, $0x3;
	v55 =	vsel vm9, v49, v47;
	v56 =	vsel vm9, v47, v49  }
0x9f: {  	[tilespmem:s28+$0x6120] =	vst v0;
	v46 =	vld [tilespmem:s13+$0x0];
	v57 =	vsel vm8, v51, v48;
	v58 =	vsel vm8, v48, v51;
	v59 =	vsel vm10, v21, v22  }
0xa0: {  	[tilespmem:s28+$0x61A0] =	vst v0;
	v60 =	vsel vm10, v22, v21;
	v61 =	vsel vm10, v52, v54;
	v42 =	vsel vm5, v62, v36  }
0xa1: {  	[tilespmem:s28+$0x4090] =	vst v16;
	v8 =	vsel vm5, v36, v62;
	v45 =	vsel vm6, v1, v3;
	v1 =	vsel vm6, v3, v1  }
0xa2: {  	[tilespmem:s28+$0x4110] =	vst v15;
	v3 =	vsel vm7, v41, v19;
	v17 =	vsel vm7, v19, v41;
	v15 =	vor.u32 $0x5, v53  }
0xa3: {  	[tilespmem:s28+$0x4190] =	vst v14;
	v62 =	vsel vm10, v54, v52;
	vm11 =	vlt.s32 v55, v59;
	vm2 =	vgt.s32 v55, v59  }
0xa4: {  	v29 =	vld [tilespmem:s12+$0x2000];
	[tilespmem:s17+$0x4000] =	vst v13;
	vm0 =	vgt.s32 v56, v60;
	vm1 =	vlt.s32 v56, v60;
	v11 =	vshll.u32 v46, $0x3  }
0xa5: {  	[tilespmem:s17+$0x6000] =	vst v0;
	v34 =	vld [tilespmem:s13+$0x2000];
	v30 =	vsel vm2, v59, v55;
	v5 =	vsel vm2, v55, v59;
	v31 =	vsel vm0, v60, v56  }
0xa6: {  	[tilespmem:s16+$0x4000] =	vst v12;
	v63 =	vld [tilespmem:s0+$0x2000];
	v33 =	vsel vm11, v57, v61;
	v13 =	vsel vm11, v61, v57;
	v36 =	vsel vm1, v58, v62  }
0xa7: {  	[tilespmem:s16+$0x6000] =	vst v0;
	v32 =	vld [tilespmem:s31+$0x2000];
	vm12 =	vlt.s32 v9, v15;
	v14 =	vsel vm0, v56, v60;
	v56 =	vsel vm1, v62, v58  }
0xa8: {  	[tilespmem:s14+$0x4000] =	vst v10;
	v11 =	vor.u32 $0x7, v11;
	vm2 =	vgt.s32 v31, v5;
	vm3 =	vlt.s32 v31, v5  }
0xa9: {  	[tilespmem:s14+$0x6000] =	vst v0;
	v38 =	vsel vm12, v9, v15;
	v9 =	vsel vm12, v15, v9;
	v35 =	vsel vm2, v5, v31  }
0xaa: {  	[tilespmem:s29+$0x4000] =	vst v2;
	v5 =	vsel vm2, v31, v5;
	v37 =	vsel vm3, v36, v13;
	v13 =	vsel vm3, v13, v36  }
0xab: {  	[tilespmem:s29+$0x6000] =	vst v0;
	v39 =	vsel vm12, v63, v29;
	vm13 =	vlt.s32 v6, v11;
	v12 =	vsel vm12, v29, v63  }
0xac: {  	[tilespmem:s28+$0x4020] =	vst v28;
	v40 =	vsel vm13, v6, v11;
	v6 =	vsel vm13, v11, v6;
	v41 =	vsel vm13, v32, v34  }
0xad: {  	[tilespmem:s28+$0x40A0] =	vst v42;
	v10 =	vsel vm13, v34, v32;
	vm14 =	vgt.s32 v38, v40;
	vm4 =	vlt.s32 v38, v40  }
0xae: {  	[tilespmem:s28+$0x4120] =	vst v8;
	vm15 =	vgt.s32 v9, v6;
	vm5 =	vlt.s32 v9, v6;
	v42 =	vsel vm14, v40, v38  }
0xaf: {  	[tilespmem:s28+$0x41A0] =	vst v45;
	v43 =	vsel vm14, v38, v40;
	v44 =	vsel vm4, v39, v41;
	v45 =	vsel vm15, v6, v9  }
0xb0: {  	[tilespmem:s4+$0x4000] =	vst v1;
	v8 =	vsel vm4, v41, v39;
	v1 =	vsel vm5, v12, v10;
	v6 =	vsel vm15, v9, v6  }
0xb1: {  	[tilespmem:s28+$0x6030] =	vst v0;
	v57 =	vsel vm5, v10, v12;
	vm2 =	vgt.s32 v45, v43;
	vm9 =	vlt.s32 v45, v43  }
0xb2: {  	[tilespmem:s28+$0x60B0] =	vst v0;
	vm10 =	vgt.s32 v30, v42;
	vm11 =	vlt.s32 v30, v42;
	vm0 =	vlt.s32 v14, v6  }
0xb3: {  	[tilespmem:s4+$0x6000] =	vst v0;
	v46 =	vsel vm2, v43, v45;
	v7 =	vsel vm2, v45, v43;
	v47 =	vsel vm9, v1, v8  }
0xb4: {  	[tilespmem:s3+$0x4000] =	vst v3;
	v1 =	vsel vm9, v8, v1;
	v3 =	vsel vm10, v30, v42;
	v48 =	vsel vm11, v33, v44  }
0xb5: {  	[tilespmem:s28+$0x6130] =	vst v0;
	v49 =	vsel vm11, v44, v33;
	v6 =	vsel vm0, v14, v6;
	v60 =	vsel vm0, v56, v57  }
0xb6: {  	[tilespmem:s28+$0x61B0] =	vst v0;
	vm2 =	vgt.s32 v5, v7;
	vm6 =	vlt.s32 v35, v46;
	vm7 =	vgt.s32 v35, v46  }
0xb7: {  	[tilespmem:s3+$0x6000] =	vst v0;
	vm12 =	vlt.s32 v5, v7;
	v50 =	vsel vm2, v7, v5;
	v51 =	vsel vm7, v46, v35  }
0xb8: {  	[tilespmem:s20+$0x4000] =	vst v17;
	v2 =	vsel vm12, v13, v1;
	v53 =	vsel vm6, v37, v47;
	v58 =	vsel vm7, v35, v46  }
0xb9: {  	[tilespmem:s20+$0x6000] =	vst v0;
	v59 =	vsel vm6, v47, v37;
	vm8 =	vgt.s32 v50, v3;
	vm9 =	vlt.s32 v50, v3  }
0xba: {  	[tilespmem:s19+$0x4000] =	vst v4;
	vm13 =	vgt.s32 v6, v58;
	vm14 =	vlt.s32 v6, v58;
	v52 =	vsel vm8, v3, v50  }
0xbb: {  	[tilespmem:s19+$0x6000] =	vst v0;
	v54 =	vsel vm9, v2, v49;
	v3 =	vsel vm8, v50, v3;
	vm10 =	vlt.s32 v51, v52  }
0xbc: {  	[tilespmem:s28+$0x4030] =	vst v48;
	v15 =	vsel vm13, v58, v6;
	v2 =	vsel vm9, v49, v2;
	v55 =	vsel vm10, v53, v54  }
0xbd: {  	vm15 =	vlt.s32 v15, v3;
	v3 =	vsel vm14, v60, v59;
	v4 =	vsel vm10, v54, v53;
	[tilespmem:s28+$0x40B0] =	vst v55  }
0xbe: {  	v61 =	vsel vm15, v3, v2;
	[tilespmem:s28+$0x4130] =	vst v4  }
0xbf: {  	v62 =	vsel vm2, v5, v7;
	v63 =	vsel vm13, v6, v58;
	v2 =	vsel vm15, v2, v3;
	[tilespmem:s28+$0x41B0] =	vst v61  }
0xc0: {  	v1 =	vsel vm12, v1, v13;
	vm1 =	vlt.s32 v63, v62;
	v3 =	vsel vm14, v59, v60;
	[tilespmem:s0+$0x4000] =	vst v2  }
0xc1: {  	s24 =	sadd.s32 $0x4, s24;
	v2 =	vsel vm1, v3, v1;
	[tilespmem:s0+$0x6000] =	vst v0  }
0xc2: {  	p1 =	slt.u32 s24, $0x1C;
	[tilespmem:s12+$0x4000] =	vst v2  }
.Ltmp0:
0xc3: {  	v1 =	vsel vm1, v1, v3;
	[tilespmem:s12+$0x6000] =	vst v0;
	(pc) =	sbr.rel @p1 .LBB2_2-.Ltmp0, $4  }
0xc4: {  	[tilespmem:s31+$0x4000] =	vst v1  }
0xc5: {  	v1 =	vsel vm0, v57, v56;
	[tilespmem:s31+$0x6000] =	vst v0  }
0xc6: {  	[tilespmem:s13+$0x4000] =	vst v1  }
0xc7: {  	p0 =	por !p0, !p0;
	s25 =	sadd.s32 $0x40, s25;
	s26 =	sadd.s32 $0x200, s26;
	[tilespmem:s13+$0x6000] =	vst v0  }
0xc8: {  	s24 =	simm.s32 $0x0;
	s0 =	simm.s32 $0x4000  }
0xc9: {  	[hbm4b:s7+s24] =	stream.linear.scatter [tilespmem:s0], [sflag:$0x3], $0x1000, $0x38;
	[tilespmem:$0x8000] =	vst v63  }
0xca: {  	s31 =	simm.s32 $0x6000  }
0xcb: {  	[hbm4b:s8+s24] =	stream.linear.scatter [tilespmem:s31], [sflag:$0x3], $0x1000, $0x38;
	[tilespmem:$0x8000] =	vst v63  }
0xcc: {  	_ =	swait.ge [sflag:s18], $0x1000  }
0xcd: {  	[sflag:s18] =	ssyncset.done $0x0  }
0xce: {  	[sflag:s18] =	ssyncadd.s32 $0xFFFFF000  }
0xcf: {  	_ =	swait.ge [sflag:s18], $0x1000  }
0xd0: {  	s25 =	simm.s32 $0xFFFFFFFC;
	[sflag:s18] =	ssyncset.done $0x0  }
0xd1: {  	p0 =	por $0x0, $0x0;
	s26 =	simm.s32 $0x0;
	[sflag:s18] =	ssyncadd.s32 $0xFFFFF000  }
.LBB2_4:
0xd2: {  	s0 =	sand.u32 $0x40, s24;
	s1 =	sand.u32 $0xC00, s26  }
0xd3: {  	s28 =	sor.u32 s0, s1  }
0xd4: {  	v1 =	vld [tilespmem:s28+$0x1000]  }
0xd5: {  	s20 =	sor.u32 s26, s24;
	v2 =	vld [tilespmem:s28+$0x1080]  }
0xd6: {  	s30 =	sor.u32 $0x1380, s20;
	v3 =	vld [tilespmem:s28+$0x1100]  }
0xd7: {  	v8 =	vld [tilespmem:s30+$0x0]  }
0xd8: {  	v9 =	vld [tilespmem:s28+$0x3000]  }
0xd9: {  	v52 =	vld [tilespmem:s28+$0x1010]  }
0xda: {  	s3 =	simm.s32 $0x1;
	v53 =	vld [tilespmem:s28+$0x1090]  }
0xdb: {  	s3 =	simm.s32 @!p0 $0x0;
	s1 =	sor.u32 s1, s24;
	v56 =	vld [tilespmem:s28+$0x1110]  }
0xdc: {  	s19 =	sshll.u32 s3, $0x6;
	s13 =	sor.u32 $0x1180, s1;
	v19 =	vld [tilespmem:s28+$0x1190]  }
0xdd: {  	s0 =	sadd.s32 s19, s26;
	v4 =	vld [tilespmem:s13+$0x0]  }
0xde: {  	v11 =	vld [tilespmem:s28+$0x3080];
	s12 =	sor.u32 $0x1200, s0  }
0xdf: {  	s1 =	sor.u32 $0x1280, s0;
	v5 =	vld [tilespmem:s12+$0x0];
	v1 =	vshll.u32 v1, $0x3;
	v2 =	vshll.u32 v2, $0x3  }
0xe0: {  	s31 =	sor.u32 $0x1300, s0;
	v6 =	vld [tilespmem:s1+$0x0];
	v3 =	vshll.u32 v3, $0x3;
	v8 =	vshll.u32 v8, $0x3;
	v60 =	vshll.u32 v52, $0x3  }
0xe1: {  	v7 =	vld [tilespmem:s31+$0x0];
	v61 =	vshll.u32 v53, $0x3;
	v22 =	vshll.u32 v56, $0x3;
	v23 =	vshll.u32 v19, $0x3  }
0xe2: {  	v12 =	vld [tilespmem:s28+$0x3100];
	s29 =	sadd.s32 $0x10, s0;
	v10 =	vor.u32 $0x1, v2;
	v4 =	vshll.u32 v4, $0x3;
	v3 =	vor.u32 $0x2, v3  }
0xe3: {  	v13 =	vld [tilespmem:s13+$0x2000];
	s16 =	sor.u32 $0x1280, s29;
	v8 =	vor.u32 $0x7, v8;
	vm0 =	vgt.s32 v1, v2;
	v63 =	vor.u32 $0x1, v61  }
0xe4: {  	v21 =	vld [tilespmem:s16+$0x0];
	v4 =	vor.u32 $0x3, v4;
	vm1 =	vgt.s32 v1, v10;
	v29 =	vsel vm0, v11, v9  }
0xe5: {  	v9 =	vsel vm0, v9, v11;
	v5 =	vshll.u32 v5, $0x3;
	v6 =	vshll.u32 v6, $0x3  }
0xe6: {  	v7 =	vshll.u32 v7, $0x3;
	v2 =	vsel vm1, v10, v1;
	v1 =	vsel vm1, v1, v10  }
0xe7: {  	vm13 =	vlt.s32 v3, v4;
	v5 =	vor.u32 $0x4, v5;
	v6 =	vor.u32 $0x5, v6  }
0xe8: {  	v17 =	vld [tilespmem:s30+$0x2000];
	v7 =	vor.u32 $0x6, v7;
	v30 =	vsel vm13, v3, v4;
	v3 =	vsel vm13, v4, v3  }
0xe9: {  	v14 =	vld [tilespmem:s12+$0x2000];
	v31 =	vsel vm13, v12, v13;
	v12 =	vsel vm13, v13, v12;
	v26 =	vshll.u32 v21, $0x3  }
0xea: {  	v15 =	vld [tilespmem:s1+$0x2000];
	vm14 =	vgt.s32 v2, v30;
	vm15 =	vlt.s32 v2, v30;
	vm4 =	vgt.s32 v1, v3  }
0xeb: {  	v16 =	vld [tilespmem:s31+$0x2000];
	vm5 =	vlt.s32 v1, v3;
	vm8 =	vlt.s32 v5, v6;
	vm9 =	vlt.s32 v7, v8  }
0xec: {  	v32 =	vsel vm14, v30, v2;
	v2 =	vsel vm14, v2, v30;
	v33 =	vsel vm15, v29, v31  }
0xed: {  	v4 =	vsel vm15, v31, v29;
	v34 =	vsel vm4, v3, v1;
	v1 =	vsel vm4, v1, v3  }
0xee: {  	v3 =	vsel vm5, v9, v12;
	v9 =	vsel vm5, v12, v9;
	v37 =	vsel vm8, v5, v6  }
0xef: {  	v5 =	vsel vm8, v6, v5;
	v38 =	vsel vm8, v14, v15;
	v14 =	vsel vm8, v15, v14  }
0xf0: {  	v39 =	vsel vm9, v7, v8;
	v7 =	vsel vm9, v8, v7;
	v40 =	vsel vm9, v16, v17  }
0xf1: {  	v16 =	vsel vm9, v17, v16;
	v17 =	vor.u32 $0x3, v23;
	vm6 =	vgt.s32 v34, v2  }
0xf2: {  	vm7 =	vlt.s32 v34, v2;
	vm10 =	vlt.s32 v37, v39;
	vm11 =	vgt.s32 v37, v39  }
0xf3: {  	vm12 =	vlt.s32 v5, v7;
	vm13 =	vgt.s32 v5, v7;
	v35 =	vsel vm6, v2, v34  }
0xf4: {  	v2 =	vsel vm6, v34, v2;
	v36 =	vsel vm7, v3, v4;
	v3 =	vsel vm7, v4, v3  }
0xf5: {  	v41 =	vsel vm11, v39, v37;
	v4 =	vsel vm11, v37, v39;
	v42 =	vsel vm10, v38, v40  }
0xf6: {  	v6 =	vsel vm10, v40, v38;
	v43 =	vsel vm13, v7, v5;
	v5 =	vsel vm13, v5, v7  }
0xf7: {  	v44 =	vsel vm12, v14, v16;
	v14 =	vsel vm12, v16, v14;
	v16 =	vor.u32 $0x2, v22  }
0xf8: {  	vm14 =	vlt.s32 v43, v4;
	vm15 =	vgt.s32 v43, v4;
	vm4 =	vlt.s32 v32, v41  }
0xf9: {  	vm5 =	vgt.s32 v32, v41;
	vm10 =	vlt.s32 v1, v5;
	v45 =	vsel vm15, v4, v43  }
0xfa: {  	v8 =	vsel vm15, v43, v4;
	v18 =	vsel vm14, v44, v6;
	v6 =	vsel vm14, v6, v44  }
0xfb: {  	v46 =	vsel vm5, v32, v41;
	v4 =	vsel vm4, v33, v42;
	v11 =	vsel vm4, v42, v33  }
0xfc: {  	v5 =	vsel vm10, v1, v5;
	v51 =	vsel vm10, v9, v14;
	v1 =	vsel vm10, v14, v9  }
0xfd: {  	v62 =	vld [tilespmem:s28+$0x3010];
	vm6 =	vgt.s32 v35, v45;
	vm7 =	vlt.s32 v35, v45;
	vm8 =	vgt.s32 v2, v8  }
0xfe: {  	v24 =	vld [tilespmem:s28+$0x3090];
	vm9 =	vlt.s32 v2, v8;
	v47 =	vsel vm6, v45, v35;
	v12 =	vsel vm6, v35, v45  }
0xff: {  	v25 =	vld [tilespmem:s28+$0x3110];
	v48 =	vsel vm7, v36, v18;
	v10 =	vsel vm7, v18, v36;
	v49 =	vsel vm8, v8, v2  }
0x100: {  	v27 =	vld [tilespmem:s28+$0x3190];
	v2 =	vsel vm8, v2, v8;
	v50 =	vsel vm9, v3, v6;
	v3 =	vsel vm9, v6, v3  }
0x101: {  	vm6 =	vgt.s32 v60, v61;
	vm7 =	vgt.s32 v60, v63;
	vm8 =	vlt.s32 v16, v17  }
0x102: {  	s17 =	sor.u32 $0x1200, s29;
	vm11 =	vlt.s32 v49, v46;
	vm12 =	vgt.s32 v49, v46;
	vm13 =	vlt.s32 v5, v12  }
0x103: {  	v57 =	vld [tilespmem:s17+$0x0];
	vm14 =	vgt.s32 v5, v12;
	v28 =	vsel vm7, v63, v60;
	v29 =	vsel vm6, v24, v62  }
0x104: {  	v14 =	vsel vm6, v62, v24;
	v30 =	vsel vm8, v16, v17;
	v16 =	vsel vm8, v17, v16  }
0x105: {  	v31 =	vsel vm8, v25, v27;
	v19 =	vsel vm8, v27, v25;
	v54 =	vsel vm12, v46, v49  }
0x106: {  	v7 =	vsel vm12, v49, v46;
	v55 =	vsel vm11, v50, v11;
	v11 =	vsel vm11, v11, v50  }
0x107: {  	v20 =	vsel vm14, v12, v5;
	v5 =	vsel vm14, v5, v12;
	v58 =	vsel vm13, v51, v10  }
0x108: {  	s14 =	sor.u32 $0x1300, s29;
	s29 =	sor.u32 $0x1380, s29;
	v10 =	vsel vm13, v10, v51;
	v12 =	vshll.u32 v57, $0x3;
	vm9 =	vgt.s32 v28, v30  }
0x109: {  	v59 =	vld [tilespmem:s29+$0x0];
	vm10 =	vlt.s32 v28, v30;
	vm15 =	vlt.s32 v47, v54;
	vm4 =	vlt.s32 v20, v7  }
0x10a: {  	vm5 =	vlt.s32 v5, v2;
	v12 =	vor.u32 $0x4, v12;
	v20 =	vor.u32 $0x5, v26  }
0x10b: {  	v23 =	vld [tilespmem:s16+$0x2000];
	v32 =	vsel vm9, v30, v28;
	v13 =	vsel vm9, v28, v30;
	v33 =	vsel vm10, v29, v31  }
0x10c: {  	v22 =	vld [tilespmem:s17+$0x2000];
	v15 =	vsel vm10, v31, v29;
	v9 =	vsel vm15, v48, v55;
	v8 =	vsel vm15, v55, v48  }
0x10d: {  	v7 =	vsel vm4, v58, v11;
	v6 =	vsel vm4, v11, v58;
	v5 =	vsel vm5, v10, v3  }
0x10e: {  	v2 =	vld [tilespmem:s14+$0x0];
	v3 =	vsel vm5, v3, v10;
	v11 =	vshll.u32 v59, $0x3;
	v10 =	vsel vm7, v60, v63  }
0x10f: {  	vm15 =	vlt.s32 v12, v20;
	v11 =	vor.u32 $0x7, v11;
	vm11 =	vgt.s32 v10, v16  }
0x110: {  	v24 =	vld [tilespmem:s14+$0x2000];
	vm12 =	vlt.s32 v10, v16;
	v38 =	vsel vm15, v12, v20;
	v12 =	vsel vm15, v20, v12  }
0x111: {  	v26 =	vld [tilespmem:s28+$0x1020];
	v39 =	vsel vm15, v22, v23;
	v22 =	vsel vm15, v23, v22;
	v34 =	vsel vm11, v16, v10  }
0x112: {  	v25 =	vld [tilespmem:s29+$0x2000];
	v10 =	vsel vm11, v10, v16;
	v35 =	vsel vm12, v14, v19;
	v14 =	vsel vm12, v19, v14  }
0x113: {  	vm13 =	vgt.s32 v34, v13;
	vm14 =	vlt.s32 v34, v13;
	v2 =	vshll.u32 v2, $0x3  }
0x114: {  	v36 =	vsel vm13, v13, v34;
	v13 =	vsel vm13, v34, v13;
	v2 =	vor.u32 $0x6, v2  }
0x115: {  	v37 =	vsel vm14, v35, v15;
	v15 =	vsel vm14, v15, v35;
	vm4 =	vlt.s32 v2, v11  }
0x116: {  	v62 =	vshll.u32 v26, $0x3;
	v40 =	vsel vm4, v2, v11;
	v2 =	vsel vm4, v11, v2  }
0x117: {  	v41 =	vsel vm4, v24, v25;
	v24 =	vsel vm4, v25, v24;
	vm5 =	vlt.s32 v38, v40  }
0x118: {  	vm6 =	vgt.s32 v38, v40;
	vm7 =	vlt.s32 v12, v2;
	vm8 =	vgt.s32 v12, v2  }
0x119: {  	v42 =	vsel vm6, v40, v38;
	v16 =	vsel vm6, v38, v40;
	v43 =	vsel vm5, v39, v41  }
0x11a: {  	v11 =	vsel vm5, v41, v39;
	v44 =	vsel vm8, v2, v12;
	v2 =	vsel vm8, v12, v2  }
0x11b: {  	v54 =	vld [tilespmem:s28+$0x10A0];
	v45 =	vsel vm7, v22, v24;
	v22 =	vsel vm7, v24, v22;
	vm9 =	vlt.s32 v44, v16  }
0x11c: {  	v27 =	vld [tilespmem:s28+$0x11A0];
	vm10 =	vgt.s32 v44, v16;
	vm11 =	vlt.s32 v32, v42;
	vm12 =	vgt.s32 v32, v42  }
0x11d: {  	vm5 =	vlt.s32 v10, v2;
	v46 =	vsel vm10, v16, v44;
	v16 =	vsel vm10, v44, v16  }
0x11e: {  	v47 =	vsel vm9, v45, v11;
	v12 =	vsel vm9, v11, v45;
	v21 =	vsel vm12, v32, v42  }
0x11f: {  	s19 =	sadd.s32 $0x20, s0;
	v11 =	vsel vm11, v33, v43;
	v18 =	vsel vm11, v43, v33;
	v10 =	vsel vm5, v10, v2  }
0x120: {  	s3 =	sor.u32 $0x1280, s19;
	v53 =	vsel vm5, v14, v22;
	v2 =	vsel vm5, v22, v14;
	v22 =	vshll.u32 v54, $0x3  }
0x121: {  	v29 =	vld [tilespmem:s3+$0x0];
	v33 =	vshll.u32 v27, $0x3;
	vm13 =	vgt.s32 v36, v46;
	vm14 =	vlt.s32 v36, v46  }
0x122: {  	v63 =	vld [tilespmem:s28+$0x3020];
	vm15 =	vgt.s32 v13, v16;
	vm4 =	vlt.s32 v13, v16;
	v32 =	vor.u32 $0x1, v22  }
0x123: {  	v34 =	vld [tilespmem:s28+$0x30A0];
	v25 =	vor.u32 $0x3, v33;
	v48 =	vsel vm13, v46, v36;
	v19 =	vsel vm13, v36, v46  }
0x124: {  	v49 =	vsel vm14, v37, v47;
	v17 =	vsel vm14, v47, v37;
	v50 =	vsel vm15, v16, v13  }
0x125: {  	v13 =	vsel vm15, v13, v16;
	v51 =	vsel vm4, v15, v12;
	v52 =	vsel vm4, v12, v15  }
0x126: {  	s4 =	sor.u32 $0x1200, s19;
	v57 =	vld [tilespmem:s28+$0x1120];
	v36 =	vshll.u32 v29, $0x3;
	vm13 =	vgt.s32 v62, v22;
	vm14 =	vgt.s32 v62, v32  }
0x127: {  	v58 =	vld [tilespmem:s4+$0x0];
	vm6 =	vlt.s32 v50, v21;
	vm7 =	vgt.s32 v50, v21;
	vm8 =	vlt.s32 v10, v19  }
0x128: {  	s20 =	sor.u32 $0x1300, s19;
	vm9 =	vgt.s32 v10, v19;
	v38 =	vsel vm14, v32, v62;
	v39 =	vsel vm13, v34, v63  }
0x129: {  	v60 =	vld [tilespmem:s20+$0x0];
	v23 =	vsel vm13, v63, v34;
	v55 =	vsel vm7, v21, v50;
	v20 =	vsel vm7, v50, v21  }
0x12a: {  	v56 =	vsel vm6, v51, v18;
	v18 =	vsel vm6, v18, v51;
	v28 =	vsel vm9, v19, v10  }
0x12b: {  	s19 =	sor.u32 $0x1380, s19;
	v10 =	vsel vm9, v10, v19;
	v59 =	vsel vm8, v53, v17;
	v17 =	vsel vm8, v17, v53  }
0x12c: {  	v61 =	vld [tilespmem:s19+$0x0];
	v21 =	vshll.u32 v57, $0x3;
	v19 =	vshll.u32 v58, $0x3;
	vm10 =	vlt.s32 v48, v55  }
0x12d: {  	[tilespmem:s28+$0x7000] =	vst v0;
	v35 =	vld [tilespmem:s28+$0x3120];
	vm11 =	vlt.s32 v28, v20;
	vm12 =	vlt.s32 v10, v13;
	v21 =	vor.u32 $0x2, v21  }
0x12e: {  	[tilespmem:s28+$0x7080] =	vst v0;
	v37 =	vld [tilespmem:s28+$0x31A0];
	v19 =	vor.u32 $0x4, v19;
	v20 =	vshll.u32 v60, $0x3;
	v28 =	vor.u32 $0x5, v36  }
0x12f: {  	[tilespmem:s28+$0x7100] =	vst v0;
	v30 =	vld [tilespmem:s4+$0x2000];
	v16 =	vsel vm10, v49, v56;
	v15 =	vsel vm10, v56, v49;
	v14 =	vsel vm11, v59, v18  }
0x130: {  	[tilespmem:s28+$0x5000] =	vst v4;
	v31 =	vld [tilespmem:s3+$0x2000];
	v13 =	vsel vm11, v18, v59;
	v12 =	vsel vm12, v17, v52;
	v10 =	vsel vm12, v52, v17  }
0x131: {  	[tilespmem:s28+$0x5080] =	vst v9;
	v20 =	vor.u32 $0x6, v20;
	v18 =	vshll.u32 v61, $0x3;
	v17 =	vsel vm14, v62, v32  }
0x132: {  	[tilespmem:s28+$0x5100] =	vst v8;
	v34 =	vld [tilespmem:s28+$0x10B0];
	vm15 =	vlt.s32 v21, v25;
	vm10 =	vlt.s32 v19, v28;
	v18 =	vor.u32 $0x7, v18  }
0x133: {  	[tilespmem:s13+$0x4000] =	vst v7;
	v40 =	vsel vm15, v21, v25;
	v21 =	vsel vm15, v25, v21;
	v41 =	vsel vm15, v35, v37  }
0x134: {  	[tilespmem:s13+$0x6000] =	vst v0;
	v27 =	vsel vm15, v37, v35;
	v48 =	vsel vm10, v19, v28;
	v19 =	vsel vm10, v28, v19  }
0x135: {  	[tilespmem:s12+$0x4000] =	vst v6;
	v49 =	vsel vm10, v30, v31;
	v30 =	vsel vm10, v31, v30;
	vm4 =	vgt.s32 v38, v40  }
0x136: {  	[tilespmem:s12+$0x6000] =	vst v0;
	vm5 =	vlt.s32 v38, v40;
	vm6 =	vgt.s32 v17, v21;
	vm7 =	vlt.s32 v17, v21  }
0x137: {  	[tilespmem:s1+$0x4000] =	vst v5;
	vm11 =	vlt.s32 v20, v18;
	v5 =	vshll.u32 v34, $0x3;
	v42 =	vsel vm4, v40, v38  }
0x138: {  	v33 =	vld [tilespmem:s19+$0x2000];
	v22 =	vsel vm4, v38, v40;
	v43 =	vsel vm5, v39, v41;
	v24 =	vsel vm5, v41, v39  }
0x139: {  	v32 =	vld [tilespmem:s20+$0x2000];
	v44 =	vsel vm6, v21, v17;
	v17 =	vsel vm6, v17, v21;
	v45 =	vsel vm7, v23, v27  }
0x13a: {  	v23 =	vsel vm7, v27, v23;
	v50 =	vsel vm11, v20, v18;
	v18 =	vsel vm11, v18, v20  }
0x13b: {  	vm8 =	vgt.s32 v44, v22;
	vm9 =	vlt.s32 v44, v22;
	vm12 =	vlt.s32 v48, v50  }
0x13c: {  	vm13 =	vgt.s32 v48, v50;
	vm14 =	vlt.s32 v19, v18;
	vm15 =	vgt.s32 v19, v18  }
0x13d: {  	v46 =	vsel vm8, v22, v44;
	v22 =	vsel vm8, v44, v22;
	v47 =	vsel vm9, v45, v24  }
0x13e: {  	v37 =	vld [tilespmem:s28+$0x1130];
	v21 =	vsel vm9, v24, v45;
	v51 =	vsel vm11, v32, v33;
	v32 =	vsel vm11, v33, v32  }
0x13f: {  	v52 =	vsel vm13, v50, v48;
	v24 =	vsel vm13, v48, v50;
	v54 =	vsel vm15, v18, v19  }
0x140: {  	v18 =	vsel vm15, v19, v18;
	v53 =	vsel vm12, v49, v51;
	v20 =	vsel vm12, v51, v49  }
0x141: {  	[tilespmem:s1+$0x6000] =	vst v0;
	s1 =	sadd.s32 $0x30, s0;
	v55 =	vsel vm14, v30, v32;
	v56 =	vsel vm14, v32, v30;
	vm4 =	vlt.s32 v54, v24  }
0x142: {  	s0 =	sor.u32 $0x1200, s1;
	vm5 =	vgt.s32 v54, v24;
	vm6 =	vlt.s32 v42, v52;
	vm7 =	vgt.s32 v42, v52  }
0x143: {  	v40 =	vld [tilespmem:s0+$0x0];
	vm12 =	vlt.s32 v17, v18;
	v49 =	vor.u32 $0x1, v5;
	v50 =	vshll.u32 v37, $0x3  }
0x144: {  	v57 =	vsel vm5, v24, v54;
	v4 =	vsel vm5, v54, v24;
	v58 =	vsel vm4, v55, v20  }
0x145: {  	v19 =	vsel vm4, v20, v55;
	v59 =	vsel vm7, v42, v52;
	v28 =	vsel vm6, v43, v53  }
0x146: {  	v38 =	vld [tilespmem:s28+$0x11B0];
	v26 =	vsel vm6, v53, v43;
	v17 =	vsel vm12, v17, v18;
	v32 =	vsel vm12, v23, v56  }
0x147: {  	[tilespmem:s31+$0x4000] =	vst v3;
	vm8 =	vgt.s32 v46, v57;
	vm9 =	vlt.s32 v46, v57;
	vm10 =	vgt.s32 v22, v4  }
0x148: {  	[tilespmem:s31+$0x6000] =	vst v0;
	s31 =	sor.u32 $0x1300, s1;
	v33 =	vld [tilespmem:s28+$0x1030];
	vm11 =	vlt.s32 v22, v4;
	v9 =	vshll.u32 v40, $0x3;
	v60 =	vsel vm8, v57, v46  }
0x149: {  	v44 =	vld [tilespmem:s31+$0x0];
	v61 =	vsel vm8, v46, v57;
	v62 =	vsel vm9, v47, v58;
	v24 =	vsel vm9, v58, v47  }
0x14a: {  	v63 =	vsel vm10, v4, v22;
	v30 =	vsel vm10, v22, v4;
	v31 =	vsel vm11, v21, v19  }
0x14b: {  	v19 =	vsel vm11, v19, v21;
	v4 =	vsel vm12, v56, v23;
	v22 =	vshll.u32 v38, $0x3  }
0x14c: {  	[tilespmem:s28+$0x7010] =	vst v0;
	v21 =	vor.u32 $0x2, v50;
	v9 =	vor.u32 $0x4, v9;
	vm13 =	vlt.s32 v63, v59  }
0x14d: {  	[tilespmem:s28+$0x7090] =	vst v0;
	v48 =	vld [tilespmem:s28+$0x3030];
	vm14 =	vgt.s32 v63, v59;
	vm15 =	vlt.s32 v17, v61;
	vm4 =	vgt.s32 v17, v61  }
0x14e: {  	[tilespmem:s28+$0x7110] =	vst v0;
	s12 =	sor.u32 $0x1280, s1;
	v51 =	vld [tilespmem:s28+$0x30B0];
	v47 =	vshll.u32 v33, $0x3;
	v22 =	vor.u32 $0x3, v22;
	v6 =	vshll.u32 v44, $0x3  }
0x14f: {  	[tilespmem:s28+$0x7190] =	vst v0;
	v43 =	vld [tilespmem:s12+$0x0];
	v35 =	vsel vm14, v59, v63;
	v20 =	vsel vm14, v63, v59;
	v36 =	vsel vm13, v31, v26  }
0x150: {  	[tilespmem:s30+$0x4000] =	vst v1;
	v52 =	vld [tilespmem:s28+$0x3130];
	v3 =	vsel vm13, v26, v31;
	v39 =	vsel vm4, v61, v17;
	v7 =	vsel vm4, v17, v61  }
0x151: {  	[tilespmem:s30+$0x6000] =	vst v0;
	v54 =	vld [tilespmem:s28+$0x31B0];
	v1 =	vsel vm15, v32, v24;
	v41 =	vsel vm15, v24, v32;
	v6 =	vor.u32 $0x6, v6  }
0x152: {  	[tilespmem:s28+$0x5010] =	vst v11;
	vm8 =	vgt.s32 v47, v5;
	vm9 =	vgt.s32 v47, v49;
	vm10 =	vlt.s32 v21, v22  }
0x153: {  	[tilespmem:s28+$0x7020] =	vst v0;
	vm5 =	vlt.s32 v60, v35;
	vm6 =	vlt.s32 v39, v20;
	vm7 =	vlt.s32 v7, v30  }
0x154: {  	s13 =	sor.u32 $0x1380, s1;
	[tilespmem:s28+$0x70A0] =	vst v0;
	v53 =	vshll.u32 v43, $0x3;
	v55 =	vsel vm9, v49, v47;
	v56 =	vsel vm9, v47, v49  }
0x155: {  	[tilespmem:s28+$0x7120] =	vst v0;
	v46 =	vld [tilespmem:s13+$0x0];
	v57 =	vsel vm8, v51, v48;
	v58 =	vsel vm8, v48, v51;
	v59 =	vsel vm10, v21, v22  }
0x156: {  	[tilespmem:s28+$0x71A0] =	vst v0;
	v60 =	vsel vm10, v22, v21;
	v61 =	vsel vm10, v52, v54;
	v42 =	vsel vm5, v62, v36  }
0x157: {  	[tilespmem:s28+$0x5090] =	vst v16;
	v8 =	vsel vm5, v36, v62;
	v45 =	vsel vm6, v1, v3;
	v1 =	vsel vm6, v3, v1  }
0x158: {  	[tilespmem:s28+$0x5110] =	vst v15;
	v3 =	vsel vm7, v41, v19;
	v17 =	vsel vm7, v19, v41;
	v15 =	vor.u32 $0x5, v53  }
0x159: {  	[tilespmem:s28+$0x5190] =	vst v14;
	v62 =	vsel vm10, v54, v52;
	vm11 =	vlt.s32 v55, v59;
	vm2 =	vgt.s32 v55, v59  }
0x15a: {  	v29 =	vld [tilespmem:s12+$0x2000];
	[tilespmem:s17+$0x4000] =	vst v13;
	vm0 =	vgt.s32 v56, v60;
	vm1 =	vlt.s32 v56, v60;
	v11 =	vshll.u32 v46, $0x3  }
0x15b: {  	[tilespmem:s17+$0x6000] =	vst v0;
	v34 =	vld [tilespmem:s13+$0x2000];
	v30 =	vsel vm2, v59, v55;
	v5 =	vsel vm2, v55, v59;
	v31 =	vsel vm0, v60, v56  }
0x15c: {  	[tilespmem:s16+$0x4000] =	vst v12;
	v63 =	vld [tilespmem:s0+$0x2000];
	v33 =	vsel vm11, v57, v61;
	v13 =	vsel vm11, v61, v57;
	v36 =	vsel vm1, v58, v62  }
0x15d: {  	[tilespmem:s16+$0x6000] =	vst v0;
	v32 =	vld [tilespmem:s31+$0x2000];
	vm12 =	vlt.s32 v9, v15;
	v14 =	vsel vm0, v56, v60;
	v56 =	vsel vm1, v62, v58  }
0x15e: {  	[tilespmem:s14+$0x4000] =	vst v10;
	v11 =	vor.u32 $0x7, v11;
	vm2 =	vgt.s32 v31, v5;
	vm3 =	vlt.s32 v31, v5  }
0x15f: {  	[tilespmem:s14+$0x6000] =	vst v0;
	v38 =	vsel vm12, v9, v15;
	v9 =	vsel vm12, v15, v9;
	v35 =	vsel vm2, v5, v31  }
0x160: {  	[tilespmem:s29+$0x4000] =	vst v2;
	v5 =	vsel vm2, v31, v5;
	v37 =	vsel vm3, v36, v13;
	v13 =	vsel vm3, v13, v36  }
0x161: {  	[tilespmem:s29+$0x6000] =	vst v0;
	v39 =	vsel vm12, v63, v29;
	vm13 =	vlt.s32 v6, v11;
	v12 =	vsel vm12, v29, v63  }
0x162: {  	[tilespmem:s28+$0x5020] =	vst v28;
	v40 =	vsel vm13, v6, v11;
	v6 =	vsel vm13, v11, v6;
	v41 =	vsel vm13, v32, v34  }
0x163: {  	[tilespmem:s28+$0x50A0] =	vst v42;
	v10 =	vsel vm13, v34, v32;
	vm14 =	vgt.s32 v38, v40;
	vm4 =	vlt.s32 v38, v40  }
0x164: {  	[tilespmem:s28+$0x5120] =	vst v8;
	vm15 =	vgt.s32 v9, v6;
	vm5 =	vlt.s32 v9, v6;
	v42 =	vsel vm14, v40, v38  }
0x165: {  	[tilespmem:s28+$0x51A0] =	vst v45;
	v43 =	vsel vm14, v38, v40;
	v44 =	vsel vm4, v39, v41;
	v45 =	vsel vm15, v6, v9  }
0x166: {  	[tilespmem:s4+$0x4000] =	vst v1;
	v8 =	vsel vm4, v41, v39;
	v1 =	vsel vm5, v12, v10;
	v6 =	vsel vm15, v9, v6  }
0x167: {  	[tilespmem:s28+$0x7030] =	vst v0;
	v57 =	vsel vm5, v10, v12;
	vm2 =	vgt.s32 v45, v43;
	vm9 =	vlt.s32 v45, v43  }
0x168: {  	[tilespmem:s28+$0x70B0] =	vst v0;
	vm10 =	vgt.s32 v30, v42;
	vm11 =	vlt.s32 v30, v42;
	vm0 =	vlt.s32 v14, v6  }
0x169: {  	[tilespmem:s4+$0x6000] =	vst v0;
	v46 =	vsel vm2, v43, v45;
	v7 =	vsel vm2, v45, v43;
	v47 =	vsel vm9, v1, v8  }
0x16a: {  	[tilespmem:s3+$0x4000] =	vst v3;
	v1 =	vsel vm9, v8, v1;
	v3 =	vsel vm10, v30, v42;
	v48 =	vsel vm11, v33, v44  }
0x16b: {  	[tilespmem:s28+$0x7130] =	vst v0;
	v49 =	vsel vm11, v44, v33;
	v6 =	vsel vm0, v14, v6;
	v60 =	vsel vm0, v56, v57  }
0x16c: {  	[tilespmem:s28+$0x71B0] =	vst v0;
	vm2 =	vgt.s32 v5, v7;
	vm6 =	vlt.s32 v35, v46;
	vm7 =	vgt.s32 v35, v46  }
0x16d: {  	[tilespmem:s3+$0x6000] =	vst v0;
	vm12 =	vlt.s32 v5, v7;
	v50 =	vsel vm2, v7, v5;
	v51 =	vsel vm7, v46, v35  }
0x16e: {  	[tilespmem:s20+$0x4000] =	vst v17;
	v2 =	vsel vm12, v13, v1;
	v53 =	vsel vm6, v37, v47;
	v58 =	vsel vm7, v35, v46  }
0x16f: {  	[tilespmem:s20+$0x6000] =	vst v0;
	v59 =	vsel vm6, v47, v37;
	vm8 =	vgt.s32 v50, v3;
	vm9 =	vlt.s32 v50, v3  }
0x170: {  	[tilespmem:s19+$0x4000] =	vst v4;
	vm13 =	vgt.s32 v6, v58;
	vm14 =	vlt.s32 v6, v58;
	v52 =	vsel vm8, v3, v50  }
0x171: {  	[tilespmem:s19+$0x6000] =	vst v0;
	v54 =	vsel vm9, v2, v49;
	v3 =	vsel vm8, v50, v3;
	vm10 =	vlt.s32 v51, v52  }
0x172: {  	[tilespmem:s28+$0x5030] =	vst v48;
	v15 =	vsel vm13, v58, v6;
	v2 =	vsel vm9, v49, v2;
	v55 =	vsel vm10, v53, v54  }
0x173: {  	vm15 =	vlt.s32 v15, v3;
	v3 =	vsel vm14, v60, v59;
	v4 =	vsel vm10, v54, v53;
	[tilespmem:s28+$0x50B0] =	vst v55  }
0x174: {  	v61 =	vsel vm15, v3, v2;
	[tilespmem:s28+$0x5130] =	vst v4  }
0x175: {  	v62 =	vsel vm2, v5, v7;
	v63 =	vsel vm13, v6, v58;
	v2 =	vsel vm15, v2, v3;
	[tilespmem:s28+$0x51B0] =	vst v61  }
0x176: {  	v1 =	vsel vm12, v1, v13;
	vm1 =	vlt.s32 v63, v62;
	v3 =	vsel vm14, v59, v60;
	[tilespmem:s0+$0x4000] =	vst v2  }
0x177: {  	s25 =	sadd.s32 $0x4, s25;
	v2 =	vsel vm1, v3, v1;
	[tilespmem:s0+$0x6000] =	vst v0  }
0x178: {  	p1 =	slt.u32 s25, $0x1C;
	[tilespmem:s12+$0x4000] =	vst v2  }
.Ltmp1:
0x179: {  	v1 =	vsel vm1, v1, v3;
	[tilespmem:s12+$0x6000] =	vst v0;
	(pc) =	sbr.rel @p1 .LBB2_4-.Ltmp1, $4  }
0x17a: {  	[tilespmem:s31+$0x4000] =	vst v1  }
0x17b: {  	v1 =	vsel vm0, v57, v56;
	[tilespmem:s31+$0x6000] =	vst v0  }
0x17c: {  	[tilespmem:s13+$0x4000] =	vst v1  }
0x17d: {  	p0 =	por !p0, !p0;
	s24 =	sadd.s32 $0x40, s24;
	s26 =	sadd.s32 $0x200, s26;
	[tilespmem:s13+$0x6000] =	vst v0  }
0x17e: {  	s0 =	simm.s32 $0x5000  }
0x17f: {  	[hbm4b:s9+s2] =	stream.linear.scatter [tilespmem:s0], [sflag:$0x4], $0x1000, $0x38;
	[tilespmem:$0x8000] =	vst v63  }
0x180: {  	s31 =	simm.s32 $0x7000  }
0x181: {  	[hbm4b:s10+s2] =	stream.linear.scatter [tilespmem:s31], [sflag:$0x4], $0x1000, $0x38;
	[tilespmem:$0x8000] =	vst v63  }
0x182: {  	_ =	swait.ge [sflag:s21], $0x1000  }
0x183: {  	[sflag:s21] =	ssyncset.done $0x0  }
0x184: {  	[sflag:s21] =	ssyncadd.s32 $0xFFFFF000  }
0x185: {  	_ =	swait.ge [sflag:s21], $0x1000  }
0x186: {  	[sflag:s21] =	ssyncset.done $0x0  }
0x187: {  	s23 =	sadd.s32 $0x1, s23;
	[sflag:s21] =	ssyncadd.s32 $0xFFFFF000  }
0x188: {  	p0 =	sne.s32 s23, s11;
	_ =	swait.ge [sflag:s22], $0x1000  }
.Ltmp2:
0x189: {  	[sflag:s22] =	ssyncset.done $0x0;
	(pc) =	sbr.rel @p0 .LBB2_1-.Ltmp2, $4  }
0x18a: {  	[sflag:s22] =	ssyncadd.s32 $0xFFFFF000  }
0x18b: {  	_ =	swait.ge [sflag:s22], $0x1000  }
0x18c: {  	[sflag:s22] =	ssyncset.done $0x0  }
0x18d: {  	[sflag:s22] =	ssyncadd.s32 $0xFFFFF000  }
0x18e: {  	_ =	sfence.sel $0x180000  }
0x18f: {  	[bflag:$0x0] =	sbarrier.arrive $0xFFFF  }
0x190: {  	_ =	strace $0x90000047  }
0x191: {  	s0 =	stileid.u32;
	[bflag:$0x2] =	sbarrier.arrive $0xFFFF  }
0x192: {  	p0 =	sne.s32 s0, $0x0;
	s0 =	rddreg [dreg:$0x4]  }
0x193: {  	s0 =	sadd.s32 @!p0 $0x100000, s0  }
0x194: {  	[sflag:s0] =	ssyncadd.tile.s32 @!p0 $0x1;
	_ =	shalt  }
.Lfunc_end2:
_tile_overlayer_lowered:
.L_overlay_start_2:
0x195: {  	(tag) =	ssettag $0x2  }
0x196: {  	s0 =	rddreg [dreg:$0x0];
	s2 =	stileid.u32  }
0x197: {  	s1 =	rddreg [dreg:$0x1];
	p0 =	sne.s32 s2, $0x0  }
0x198: {  	s3 =	rddreg [dreg:$0x2];
	[bflag:$0x3] =	sbarrier.arrive $0xFFFF;
	s2 =	simm.s32 @!p0 $0x1C05  }
0x199: {  	[timem:s3], [sflag:s2] =	dma.local @!p0 [hbm:s0], s1  }
0x19a: {  	s0 =	simm.s32 @!p0 $0x5  }
0x19b: {  	_ =	swait.ge @!p0 [sflag:s0], s1  }
0x19c: {  	s1 =	ssub.s32 @!p0 $0x0, s1;
	[sflag:s0] =	ssyncset.done @!p0 $0x0  }
0x19d: {  	[sflag:s0] =	ssyncadd.s32 @!p0 s1  }
0x19e: {  	[bflag:$0x3] =	sbarrier.arrive $0xFFFF  }
0x19f: {  	_ =	shalt  }

</sc_bundles>
